<compile_context>
chip_gen: v7x
topology: tpu7x:2x2x1
jax: 0.10.2.dev20260603
libtpu: 0.0.44.dev20260713+nightly
codegen_flags: <defaults>
</compile_context>

<pallas_src>
import jax
import jax.numpy as jnp
from jax import lax
from jax.experimental import pallas as pl
from jax.experimental.pallas import tpu as pltpu
from jax.experimental.pallas import tpu_sc as plsc

N_NODES = 10000
N_EDGES = 320000
NPAD = 10240
NC = 2
NS = 16
NW = NC * NS
E_PER_TILE = N_EDGES // NW
CHUNK = NPAD // NS
LANES = 16


XROWS = 624


def _diff_body(x_hbm, src_hbm, dst_hbm, diff_hbm,
               x0_v, src_v, dst_v, diff_v, xrows_v, xcol_v, xsh, sem):
    c = lax.axis_index("c")
    s = lax.axis_index("s")
    wid = c * NS + s
    base = wid * E_PER_TILE

    lane = lax.iota(jnp.int32, 16)
    col0 = jnp.zeros((LANES,), jnp.int32)
    rem = N_NODES - NS * XROWS
    xcp = pltpu.async_copy(
        x_hbm.at[pl.ds(s * XROWS, XROWS), pl.ds(jnp.int32(0), 8)],
        xrows_v.at[pl.ds(jnp.int32(0), XROWS), :], sem)
    cps = [
        pltpu.async_copy(src_hbm.at[pl.ds(base, E_PER_TILE)], src_v, sem),
        pltpu.async_copy(dst_hbm.at[pl.ds(base, E_PER_TILE)], dst_v, sem),
    ]

    @pl.when(s == jnp.int32(0))
    def _():
        pltpu.sync_copy(
            x_hbm.at[pl.ds(NS * XROWS, rem), pl.ds(jnp.int32(0), 8)],
            xrows_v.at[pl.ds(jnp.int32(XROWS), rem), :])

    xcp.wait()

    @plsc.parallel_loop(jnp.int32(0), jnp.int32(XROWS // LANES),
                        jnp.int32(1), unroll=13)
    def xbody(j):
        off = j * LANES
        xcol_v[pl.ds(off, LANES)] = plsc.load_gather(
            xrows_v, [lane + off, col0])

    pltpu.sync_copy(xcol_v.at[pl.ds(jnp.int32(0), XROWS)],
                    xsh.at[pl.ds(s * XROWS, XROWS)])

    @pl.when(s == jnp.int32(0))
    def _():
        xcol_v[pl.ds(jnp.int32(XROWS), LANES)] = plsc.load_gather(
            xrows_v, [lane + XROWS, col0])
        pltpu.sync_copy(xcol_v.at[pl.ds(jnp.int32(XROWS), rem)],
                        xsh.at[pl.ds(NS * XROWS, rem)])

    plsc.subcore_barrier()
    pltpu.sync_copy(xsh, x0_v)
    for cp in cps:
        cp.wait()

    @plsc.parallel_loop(jnp.int32(0), jnp.int32(E_PER_TILE // LANES),
                        jnp.int32(1), unroll=25)
    def ebody(j):
        off = j * LANES
        srcv = src_v[pl.ds(off, LANES)]
        dstv = dst_v[pl.ds(off, LANES)]
        xs = plsc.load_gather(x0_v, [srcv])
        xd = plsc.load_gather(x0_v, [dstv])
        diff_v[pl.ds(off, LANES)] = xs - xd

    pltpu.sync_copy(diff_v, diff_hbm.at[pl.ds(base, E_PER_TILE)])


def _scatter_body(diff_hbm, dst_hbm, w_hbm, out_hbm,
                  diff_v, dst_v, w_v, acc_v, red_v, shared, sem):
    c = lax.axis_index("c")
    s = lax.axis_index("s")
    wid = c * NS + s
    base = wid * E_PER_TILE

    cps = [
        pltpu.async_copy(diff_hbm.at[pl.ds(base, E_PER_TILE)], diff_v, sem),
        pltpu.async_copy(dst_hbm.at[pl.ds(base, E_PER_TILE)], dst_v, sem),
        pltpu.async_copy(w_hbm.at[pl.ds(base, E_PER_TILE)], w_v, sem),
    ]

    zeros16 = jnp.zeros((LANES,), jnp.float32)

    @plsc.parallel_loop(jnp.int32(0), jnp.int32(NPAD // LANES),
                        jnp.int32(1), unroll=8)
    def zbody(j):
        acc_v[pl.ds(j * LANES, LANES)] = zeros16

    for cp in cps:
        cp.wait()

    @plsc.parallel_loop(jnp.int32(0), jnp.int32(E_PER_TILE // LANES),
                        jnp.int32(1), unroll=25)
    def ebody(j):
        off = j * LANES
        dstv = dst_v[pl.ds(off, LANES)]
        contrib = diff_v[pl.ds(off, LANES)] * w_v[pl.ds(off, LANES)]
        plsc.addupdate_scatter(acc_v, [dstv], contrib)

    pltpu.sync_copy(acc_v, shared.at[s])
    plsc.subcore_barrier()

    nbase = s * CHUNK
    rcps = [pltpu.async_copy(shared.at[jnp.int32(r), pl.ds(nbase, CHUNK)],
                             red_v.at[jnp.int32(r)], sem)
            for r in range(NS)]
    for rcp in rcps:
        rcp.wait()

    @plsc.parallel_loop(jnp.int32(0), jnp.int32(CHUNK // LANES),
                        jnp.int32(1), unroll=4)
    def rbody(j):
        off = j * LANES
        a = red_v[jnp.int32(0), pl.ds(off, LANES)]
        for r in range(1, NS):
            a = a + red_v[jnp.int32(r), pl.ds(off, LANES)]
        acc_v[pl.ds(off, LANES)] = a
    pltpu.sync_copy(acc_v.at[pl.ds(jnp.int32(0), CHUNK)],
                    out_hbm.at[pl.ds(c * NPAD + nbase, CHUNK)])


@jax.jit
def _sc_call(x, src, dst, w):
    mesh = plsc.VectorSubcoreMesh(core_axis_name="c", subcore_axis_name="s")
    diff = pl.kernel(
        _diff_body,
        out_type=jax.ShapeDtypeStruct((N_EDGES,), jnp.float32),
        mesh=mesh,
        compiler_params=pltpu.CompilerParams(
            needs_layout_passes=False, use_tc_tiling_on_sc=False),
        scratch_types=[
            pltpu.VMEM((N_NODES,), jnp.float32),
            pltpu.VMEM((E_PER_TILE,), jnp.int32),
            pltpu.VMEM((E_PER_TILE,), jnp.int32),
            pltpu.VMEM((E_PER_TILE,), jnp.float32),
            pltpu.VMEM((XROWS + LANES, 8), jnp.float32),
            pltpu.VMEM((XROWS + LANES,), jnp.float32),
            pltpu.VMEM_SHARED((N_NODES,), jnp.float32),
            pltpu.SemaphoreType.DMA,
        ],
    )(x, src, dst)
    return pl.kernel(
        _scatter_body,
        out_type=jax.ShapeDtypeStruct((NC * NPAD,), jnp.float32),
        mesh=mesh,
        compiler_params=pltpu.CompilerParams(
            needs_layout_passes=False, use_tc_tiling_on_sc=False),
        scratch_types=[
            pltpu.VMEM((E_PER_TILE,), jnp.float32),
            pltpu.VMEM((E_PER_TILE,), jnp.int32),
            pltpu.VMEM((E_PER_TILE,), jnp.float32),
            pltpu.VMEM((NPAD,), jnp.float32),
            pltpu.VMEM((NS, CHUNK), jnp.float32),
            pltpu.VMEM_SHARED((NS, NPAD), jnp.float32),
            pltpu.SemaphoreType.DMA,
        ],
    )(diff, dst, w)


def _combine_body(p_ref, o_ref):
    o_ref[...] = (p_ref[pl.ds(0, N_NODES)] +
                  p_ref[pl.ds(NPAD, N_NODES)])


@jax.jit
def _combine(partials):
    return pl.pallas_call(
        _combine_body,
        out_shape=jax.ShapeDtypeStruct((N_NODES,), jnp.float32),
    )(partials)


def kernel(x, edge_index, edge_attr):
    src = edge_index[0].astype(jnp.int32)
    dst = edge_index[1].astype(jnp.int32)
    w = edge_attr[:, 0] + edge_attr[:, 1]
    partials = _sc_call(x, src, dst, w)
    return _combine(partials)

# --- scband reference (transcript-rebuilt; emitter-appended) ---
"""Pipeline reference for scband-nabla2-doperator-82841329205259 (READ-ONLY COPY).

The authoritative reference and input builder live on the scoring server;
editing this copy changes nothing except your own understanding.
"""

import jax, jax.numpy as jnp
import numpy as np

jax.config.update('jax_enable_x64', True)

N_NODES = 10000
N_EDGES = 320000
D_FEAT = 128
D_EDGE = 4
DELTA_X = 0.01
DELTA_Y = 0.01


def _spatial_derivative(x, edge_index, edge_attr, index_derivative_node, index_derivative_edge):
    # SpatialDerivativeOperator: finite-difference style message passing.
    # For each directed edge (src -> dst), the message is
    #   (x[src, k] - x[dst, k]) * edge_attr[e, c]
    # where k = index_derivative_node selects the scalar field column and
    # c = index_derivative_edge selects the relative-displacement component.
    # Messages are scatter-added onto the destination node.
    src = edge_index[0]
    dst = edge_index[1]
    diff = x[src, index_derivative_node] - x[dst, index_derivative_node]
    w = edge_attr[:, index_derivative_edge]
    contrib = diff * w
    return jax.ops.segment_sum(contrib, dst, num_segments=N_NODES)


def setup_inputs(seed: int = 0) -> dict:
    key = jax.random.key(seed)
    k1, k2, k3 = jax.random.split(key, 3)
    x = jax.random.normal(k1, (N_NODES, D_FEAT), dtype=jnp.float32)
    edge_index = jax.random.randint(k2, (2, N_EDGES), 0, N_NODES, dtype=jnp.int64)
    edge_attr = jax.random.normal(k3, (N_EDGES, D_EDGE), dtype=jnp.float32)
    return {"x": x, "edge_index": edge_index, "edge_attr": edge_attr}


def reference(x, edge_index, edge_attr):
    # Nabla2DOperator.forward: derivative_x(graph) + derivative_y(graph)
    derivative_x = _spatial_derivative(x, edge_index, edge_attr, 0, 0)
    derivative_y = _spatial_derivative(x, edge_index, edge_attr, 0, 1)
    nabla2d = derivative_x + derivative_y
    return nabla2d

if __name__ == "__main__":
    import jax
    _d = setup_inputs()
    print(jax.jit(kernel)(*tuple(_d.values())))

</pallas_src>

<mosaic_0001>
#map = affine_map<(d0, d1) -> (0, 0)>
#map1 = affine_map<(d0, d1) -> (0)>
module attributes {stable_mosaic.version = 14 : i64} {
  func.func @_diff_body(%arg0: i32, %arg1: i32, %arg2: memref<10000x128xf32, #tpu.memory_space<hbm>>, %arg3: memref<320000xi32, #tpu.memory_space<hbm>>, %arg4: memref<320000xi32, #tpu.memory_space<hbm>>, %arg5: memref<320000xf32, #tpu.memory_space<hbm>>, %arg6: memref<10000xf32, #tpu.memory_space<vmem>>, %arg7: memref<10000xi32, #tpu.memory_space<vmem>>, %arg8: memref<10000xi32, #tpu.memory_space<vmem>>, %arg9: memref<10000xf32, #tpu.memory_space<vmem>>, %arg10: memref<640x8xf32, #tpu.memory_space<vmem>>, %arg11: memref<640xf32, #tpu.memory_space<vmem>>, %arg12: memref<10000xf32, #tpu.memory_space<vmem_shared>>, %arg13: memref<!tpu.dma_semaphore, #tpu.memory_space<semaphore_mem>>) attributes {dimension_semantics = [#tpu.dimension_semantics<core_parallel>, #tpu.dimension_semantics<subcore_parallel>], iteration_bounds = array<i64: 2, 16>, scalar_prefetch = 0 : i64, scratch_operands = 8 : i64, tpu.core_type = #tpu.core_type<sc_vector_subcore>, window_params = [{transform_indices = #map}, {transform_indices = #map1}, {transform_indices = #map1}, {transform_indices = #map1}]} {
    %mul3A = arith.constant 16 : i32
    %mul3A_0 = arith.muli %arg0, %mul3A : i32
    %add3A = arith.addi %mul3A_0, %arg1 : i32
    %mul3A_1 = arith.constant 10000 : i32
    %mul3A_2 = arith.muli %add3A, %mul3A_1 : i32
    %iota3A = tpu.iota {dimensions = array<i32: 0>} : vector<16xi32>
    %broadcast_in_dim3A = arith.constant 0 : i32
    %broadcast_in_dim3A_3 = vector.broadcast %broadcast_in_dim3A : i32 to vector<16xi32>
    %mul3A_4 = arith.constant 624 : i32
    %mul3A_5 = arith.muli %arg1, %mul3A_4 : i32
    %dma_start3A = arith.constant 0 : i32
    %dma_start3A_6 = arith.constant 0 : i32
    %dma_start3A_7 = arith.constant 0 : i32
    %dma_start3A_8 = tpu.memref_slice %arg10[%dma_start3A_6, %dma_start3A_7] : memref<640x8xf32, #tpu.memory_space<vmem>> -> memref<624x8xf32, #tpu.memory_space<vmem>>
    %dma_start3A_9 = tpu.memref_slice %arg2[%mul3A_5, %dma_start3A] : memref<10000x128xf32, #tpu.memory_space<hbm>> -> memref<624x8xf32, #tpu.memory_space<hbm>>
    %dma_start3A_10 = arith.constant 0 : i32
    %dma_start3A_11 = tpu.memref_slice %arg10[%dma_start3A_6, %dma_start3A_10] : memref<640x8xf32, #tpu.memory_space<vmem>> -> memref<624x8xf32, #tpu.memory_space<vmem>>
    %dma_start3A_12 = tpu.memref_slice %arg2[%mul3A_5, %dma_start3A] : memref<10000x128xf32, #tpu.memory_space<hbm>> -> memref<624x8xf32, #tpu.memory_space<hbm>>
    tpu.enqueue_dma source(%dma_start3A_12 : memref<624x8xf32, #tpu.memory_space<hbm>>) target(%dma_start3A_11 : memref<624x8xf32, #tpu.memory_space<vmem>>) target_semaphore(%arg13 : memref<!tpu.dma_semaphore, #tpu.memory_space<semaphore_mem>>)
    %dma_start3A_13 = tpu.memref_slice %arg3[%mul3A_2] : memref<320000xi32, #tpu.memory_space<hbm>> -> memref<10000xi32, #tpu.memory_space<hbm>>
    %dma_start3A_14 = tpu.memref_slice %arg3[%mul3A_2] : memref<320000xi32, #tpu.memory_space<hbm>> -> memref<10000xi32, #tpu.memory_space<hbm>>
    tpu.enqueue_dma source(%dma_start3A_14 : memref<10000xi32, #tpu.memory_space<hbm>>) target(%arg7 : memref<10000xi32, #tpu.memory_space<vmem>>) target_semaphore(%arg13 : memref<!tpu.dma_semaphore, #tpu.memory_space<semaphore_mem>>)
    %dma_start3A_15 = tpu.memref_slice %arg4[%mul3A_2] : memref<320000xi32, #tpu.memory_space<hbm>> -> memref<10000xi32, #tpu.memory_space<hbm>>
    %dma_start3A_16 = tpu.memref_slice %arg4[%mul3A_2] : memref<320000xi32, #tpu.memory_space<hbm>> -> memref<10000xi32, #tpu.memory_space<hbm>>
    tpu.enqueue_dma source(%dma_start3A_16 : memref<10000xi32, #tpu.memory_space<hbm>>) target(%arg8 : memref<10000xi32, #tpu.memory_space<vmem>>) target_semaphore(%arg13 : memref<!tpu.dma_semaphore, #tpu.memory_space<semaphore_mem>>)
    %eq3A = arith.constant 0 : i32
    %eq3A_17 = arith.cmpi eq, %arg1, %eq3A : i32
    %convert_element_type3A = arith.extui %eq3A_17 : i1 to i32
    %cond3A = arith.constant 0 : i32
    %cond3A_18 = arith.cmpi ne, %convert_element_type3A, %cond3A : i32
    scf.if %cond3A_18 {
      %run_scoped3A_42 = arith.constant 0 : i32
      %run_scoped3A_43 = arith.constant 624 : i32
      "tpu.region"() ({
        %run_scoped3A_44 = tpu.sem_alloc : memref<!tpu.dma_semaphore, #tpu.memory_space<semaphore_mem>>
        %dma_start3A_45 = arith.constant 0 : i32
        %dma_start3A_46 = tpu.memref_slice %arg10[%run_scoped3A_43, %dma_start3A_45] : memref<640x8xf32, #tpu.memory_space<vmem>> -> memref<16x8xf32, #tpu.memory_space<vmem>>
        %dma_start3A_47 = arith.constant 9984 : i32
        %dma_start3A_48 = tpu.memref_slice %arg2[%dma_start3A_47, %run_scoped3A_42] : memref<10000x128xf32, #tpu.memory_space<hbm>> -> memref<16x8xf32, #tpu.memory_space<hbm>>
        %dma_start3A_49 = arith.constant 0 : i32
        %dma_start3A_50 = tpu.memref_slice %arg10[%run_scoped3A_43, %dma_start3A_49] : memref<640x8xf32, #tpu.memory_space<vmem>> -> memref<16x8xf32, #tpu.memory_space<vmem>>
        %dma_start3A_51 = arith.constant 9984 : i32
        %dma_start3A_52 = tpu.memref_slice %arg2[%dma_start3A_51, %run_scoped3A_42] : memref<10000x128xf32, #tpu.memory_space<hbm>> -> memref<16x8xf32, #tpu.memory_space<hbm>>
        tpu.enqueue_dma source(%dma_start3A_52 : memref<16x8xf32, #tpu.memory_space<hbm>>) target(%dma_start3A_50 : memref<16x8xf32, #tpu.memory_space<vmem>>) target_semaphore(%run_scoped3A_44 : memref<!tpu.dma_semaphore, #tpu.memory_space<semaphore_mem>>)
        %dma_wait3A_53 = arith.constant 0 : i32
        %dma_wait3A_54 = tpu.memref_slice %arg10[%run_scoped3A_43, %dma_wait3A_53] : memref<640x8xf32, #tpu.memory_space<vmem>> -> memref<16x8xf32, #tpu.memory_space<vmem>>
        %dma_wait3A_55 = arith.constant 9984 : i32
        %dma_wait3A_56 = tpu.memref_slice %arg2[%dma_wait3A_55, %run_scoped3A_42] : memref<10000x128xf32, #tpu.memory_space<hbm>> -> memref<16x8xf32, #tpu.memory_space<hbm>>
        %dma_wait3A_57 = arith.constant 0 : i32
        %dma_wait3A_58 = tpu.memref_slice %arg10[%run_scoped3A_43, %dma_wait3A_57] : memref<640x8xf32, #tpu.memory_space<vmem>> -> memref<16x8xf32, #tpu.memory_space<vmem>>
        %dma_wait3A_59 = arith.constant 9984 : i32
        %dma_wait3A_60 = tpu.memref_slice %arg2[%dma_wait3A_59, %run_scoped3A_42] : memref<10000x128xf32, #tpu.memory_space<hbm>> -> memref<16x8xf32, #tpu.memory_space<hbm>>
        tpu.wait_dma2 semaphore(%run_scoped3A_44 : memref<!tpu.dma_semaphore, #tpu.memory_space<semaphore_mem>>) src(%dma_wait3A_60 : memref<16x8xf32, #tpu.memory_space<hbm>>) dst(%dma_wait3A_58 : memref<16x8xf32, #tpu.memory_space<vmem>>)
        tpu.yield
      }) : () -> ()
    } else {
    }
    %dma_wait3A = arith.constant 0 : i32
    %dma_wait3A_19 = arith.constant 0 : i32
    %dma_wait3A_20 = arith.constant 0 : i32
    %dma_wait3A_21 = tpu.memref_slice %arg10[%dma_wait3A_19, %dma_wait3A_20] : memref<640x8xf32, #tpu.memory_space<vmem>> -> memref<624x8xf32, #tpu.memory_space<vmem>>
    %dma_wait3A_22 = tpu.memref_slice %arg2[%mul3A_5, %dma_wait3A] : memref<10000x128xf32, #tpu.memory_space<hbm>> -> memref<624x8xf32, #tpu.memory_space<hbm>>
    %dma_wait3A_23 = arith.constant 0 : i32
    %dma_wait3A_24 = tpu.memref_slice %arg10[%dma_wait3A_19, %dma_wait3A_23] : memref<640x8xf32, #tpu.memory_space<vmem>> -> memref<624x8xf32, #tpu.memory_space<vmem>>
    %dma_wait3A_25 = tpu.memref_slice %arg2[%mul3A_5, %dma_wait3A] : memref<10000x128xf32, #tpu.memory_space<hbm>> -> memref<624x8xf32, #tpu.memory_space<hbm>>
    tpu.wait_dma2 semaphore(%arg13 : memref<!tpu.dma_semaphore, #tpu.memory_space<semaphore_mem>>) src(%dma_wait3A_25 : memref<624x8xf32, #tpu.memory_space<hbm>>) dst(%dma_wait3A_24 : memref<624x8xf32, #tpu.memory_space<vmem>>)
    %parallel_loop3A = arith.constant 0 : i32
    %parallel_loop3A_26 = arith.constant 39 : i32
    %parallel_loop3A_27 = arith.constant 1 : i32
    scf.for %parallel_loop3A_42 = %parallel_loop3A to %parallel_loop3A_26 step %parallel_loop3A_27  : i32 {
      %parallel_loop3A_43 = arith.constant 16 : i32
      %parallel_loop3A_44 = arith.muli %parallel_loop3A_42, %parallel_loop3A_43 : i32
      %parallel_loop3A_45 = vector.broadcast %parallel_loop3A_44 : i32 to vector<16xi32>
      %parallel_loop3A_46 = arith.addi %iota3A, %parallel_loop3A_45 : vector<16xi32>
      %parallel_loop3A_47 = tpu.vector_load_idx %arg10[%parallel_loop3A_46, %broadcast_in_dim3A_3] : memref<640x8xf32, #tpu.memory_space<vmem>>[vector<16xi32>, vector<16xi32>], vector<16xf32>,
      %parallel_loop3A_48 = arith.index_cast %parallel_loop3A_44 : i32 to index
      %parallel_loop3A_49 = tpu.vector_load %arg11[%parallel_loop3A_48] {strides = array<i32>} : memref<640xf32, #tpu.memory_space<vmem>>, vector<16xf32>,
      tpu.vector_store %arg11[%parallel_loop3A_48], %parallel_loop3A_47 {strides = array<i32>} : memref<640xf32, #tpu.memory_space<vmem>>, vector<16xf32>,
    } {sc.loop_unroll_factor = 13 : i64, sc.parallel_access}
    %mul3A_28 = arith.constant 624 : i32
    %mul3A_29 = arith.muli %arg1, %mul3A_28 : i32
    %run_scoped3A = arith.constant 0 : i32
    "tpu.region"() ({
      %run_scoped3A_42 = tpu.sem_alloc : memref<!tpu.dma_semaphore, #tpu.memory_space<semaphore_mem>>
      %dma_start3A_43 = tpu.memref_slice %arg11[%run_scoped3A] : memref<640xf32, #tpu.memory_space<vmem>> -> memref<624xf32, #tpu.memory_space<vmem>>
      %dma_start3A_44 = tpu.memref_slice %arg12[%mul3A_29] : memref<10000xf32, #tpu.memory_space<vmem_shared>> -> memref<624xf32, #tpu.memory_space<vmem_shared>>
      %dma_start3A_45 = tpu.memref_slice %arg12[%mul3A_29] : memref<10000xf32, #tpu.memory_space<vmem_shared>> -> memref<624xf32, #tpu.memory_space<vmem_shared>>
      %dma_start3A_46 = tpu.memref_slice %arg11[%run_scoped3A] : memref<640xf32, #tpu.memory_space<vmem>> -> memref<624xf32, #tpu.memory_space<vmem>>
      tpu.enqueue_dma source(%dma_start3A_46 : memref<624xf32, #tpu.memory_space<vmem>>) target(%dma_start3A_45 : memref<624xf32, #tpu.memory_space<vmem_shared>>) target_semaphore(%run_scoped3A_42 : memref<!tpu.dma_semaphore, #tpu.memory_space<semaphore_mem>>)
      %dma_wait3A_47 = tpu.memref_slice %arg11[%run_scoped3A] : memref<640xf32, #tpu.memory_space<vmem>> -> memref<624xf32, #tpu.memory_space<vmem>>
      %dma_wait3A_48 = tpu.memref_slice %arg12[%mul3A_29] : memref<10000xf32, #tpu.memory_space<vmem_shared>> -> memref<624xf32, #tpu.memory_space<vmem_shared>>
      %dma_wait3A_49 = tpu.memref_slice %arg12[%mul3A_29] : memref<10000xf32, #tpu.memory_space<vmem_shared>> -> memref<624xf32, #tpu.memory_space<vmem_shared>>
      %dma_wait3A_50 = tpu.memref_slice %arg11[%run_scoped3A] : memref<640xf32, #tpu.memory_space<vmem>> -> memref<624xf32, #tpu.memory_space<vmem>>
      tpu.wait_dma2 semaphore(%run_scoped3A_42 : memref<!tpu.dma_semaphore, #tpu.memory_space<semaphore_mem>>) src(%dma_wait3A_50 : memref<624xf32, #tpu.memory_space<vmem>>) dst(%dma_wait3A_49 : memref<624xf32, #tpu.memory_space<vmem_shared>>)
      tpu.yield
    }) : () -> ()
    %eq3A_30 = arith.constant 0 : i32
    %eq3A_31 = arith.cmpi eq, %arg1, %eq3A_30 : i32
    %convert_element_type3A_32 = arith.extui %eq3A_31 : i1 to i32
    %cond3A_33 = arith.constant 0 : i32
    %cond3A_34 = arith.cmpi ne, %convert_element_type3A_32, %cond3A_33 : i32
    scf.if %cond3A_34 {
      %add3A_42 = arith.constant 624 : i32
      %add3A_43 = vector.broadcast %add3A_42 : i32 to vector<16xi32>
      %add3A_44 = arith.addi %iota3A, %add3A_43 : vector<16xi32>
      %gather3A = tpu.vector_load_idx %arg10[%add3A_44, %broadcast_in_dim3A_3] : memref<640x8xf32, #tpu.memory_space<vmem>>[vector<16xi32>, vector<16xi32>], vector<16xf32>,
      %swap3A = arith.constant 624 : i32
      %swap3A_45 = arith.index_cast %swap3A : i32 to index
      %swap3A_46 = tpu.vector_load %arg11[%swap3A_45] {strides = array<i32>} : memref<640xf32, #tpu.memory_space<vmem>>, vector<16xf32>,
      tpu.vector_store %arg11[%swap3A_45], %gather3A {strides = array<i32>} : memref<640xf32, #tpu.memory_space<vmem>>, vector<16xf32>,
      %run_scoped3A_47 = arith.constant 624 : i32
      "tpu.region"() ({
        %run_scoped3A_48 = tpu.sem_alloc : memref<!tpu.dma_semaphore, #tpu.memory_space<semaphore_mem>>
        %dma_start3A_49 = tpu.memref_slice %arg11[%run_scoped3A_47] : memref<640xf32, #tpu.memory_space<vmem>> -> memref<16xf32, #tpu.memory_space<vmem>>
        %dma_start3A_50 = arith.constant 9984 : i32
        %dma_start3A_51 = tpu.memref_slice %arg12[%dma_start3A_50] : memref<10000xf32, #tpu.memory_space<vmem_shared>> -> memref<16xf32, #tpu.memory_space<vmem_shared>>
        %dma_start3A_52 = arith.constant 9984 : i32
        %dma_start3A_53 = tpu.memref_slice %arg12[%dma_start3A_52] : memref<10000xf32, #tpu.memory_space<vmem_shared>> -> memref<16xf32, #tpu.memory_space<vmem_shared>>
        %dma_start3A_54 = tpu.memref_slice %arg11[%run_scoped3A_47] : memref<640xf32, #tpu.memory_space<vmem>> -> memref<16xf32, #tpu.memory_space<vmem>>
        tpu.enqueue_dma source(%dma_start3A_54 : memref<16xf32, #tpu.memory_space<vmem>>) target(%dma_start3A_53 : memref<16xf32, #tpu.memory_space<vmem_shared>>) target_semaphore(%run_scoped3A_48 : memref<!tpu.dma_semaphore, #tpu.memory_space<semaphore_mem>>)
        %dma_wait3A_55 = tpu.memref_slice %arg11[%run_scoped3A_47] : memref<640xf32, #tpu.memory_space<vmem>> -> memref<16xf32, #tpu.memory_space<vmem>>
        %dma_wait3A_56 = arith.constant 9984 : i32
        %dma_wait3A_57 = tpu.memref_slice %arg12[%dma_wait3A_56] : memref<10000xf32, #tpu.memory_space<vmem_shared>> -> memref<16xf32, #tpu.memory_space<vmem_shared>>
        %dma_wait3A_58 = arith.constant 9984 : i32
        %dma_wait3A_59 = tpu.memref_slice %arg12[%dma_wait3A_58] : memref<10000xf32, #tpu.memory_space<vmem_shared>> -> memref<16xf32, #tpu.memory_space<vmem_shared>>
        %dma_wait3A_60 = tpu.memref_slice %arg11[%run_scoped3A_47] : memref<640xf32, #tpu.memory_space<vmem>> -> memref<16xf32, #tpu.memory_space<vmem>>
        tpu.wait_dma2 semaphore(%run_scoped3A_48 : memref<!tpu.dma_semaphore, #tpu.memory_space<semaphore_mem>>) src(%dma_wait3A_60 : memref<16xf32, #tpu.memory_space<vmem>>) dst(%dma_wait3A_59 : memref<16xf32, #tpu.memory_space<vmem_shared>>)
        tpu.yield
      }) : () -> ()
    } else {
    }
    %barrier3A = arith.constant 0 : index
    tpu.barrier barrier_id(%barrier3A)
    "tpu.region"() ({
      %run_scoped3A_42 = tpu.sem_alloc : memref<!tpu.dma_semaphore, #tpu.memory_space<semaphore_mem>>
      tpu.enqueue_dma source(%arg12 : memref<10000xf32, #tpu.memory_space<vmem_shared>>) target(%arg6 : memref<10000xf32, #tpu.memory_space<vmem>>) target_semaphore(%run_scoped3A_42 : memref<!tpu.dma_semaphore, #tpu.memory_space<semaphore_mem>>)
      tpu.wait_dma2 semaphore(%run_scoped3A_42 : memref<!tpu.dma_semaphore, #tpu.memory_space<semaphore_mem>>) src(%arg12 : memref<10000xf32, #tpu.memory_space<vmem_shared>>) dst(%arg6 : memref<10000xf32, #tpu.memory_space<vmem>>)
      tpu.yield
    }) : () -> ()
    %dma_wait3A_35 = tpu.memref_slice %arg3[%mul3A_2] : memref<320000xi32, #tpu.memory_space<hbm>> -> memref<10000xi32, #tpu.memory_space<hbm>>
    %dma_wait3A_36 = tpu.memref_slice %arg3[%mul3A_2] : memref<320000xi32, #tpu.memory_space<hbm>> -> memref<10000xi32, #tpu.memory_space<hbm>>
    tpu.wait_dma2 semaphore(%arg13 : memref<!tpu.dma_semaphore, #tpu.memory_space<semaphore_mem>>) src(%dma_wait3A_36 : memref<10000xi32, #tpu.memory_space<hbm>>) dst(%arg7 : memref<10000xi32, #tpu.memory_space<vmem>>)
    %dma_wait3A_37 = tpu.memref_slice %arg4[%mul3A_2] : memref<320000xi32, #tpu.memory_space<hbm>> -> memref<10000xi32, #tpu.memory_space<hbm>>
    %dma_wait3A_38 = tpu.memref_slice %arg4[%mul3A_2] : memref<320000xi32, #tpu.memory_space<hbm>> -> memref<10000xi32, #tpu.memory_space<hbm>>
    tpu.wait_dma2 semaphore(%arg13 : memref<!tpu.dma_semaphore, #tpu.memory_space<semaphore_mem>>) src(%dma_wait3A_38 : memref<10000xi32, #tpu.memory_space<hbm>>) dst(%arg8 : memref<10000xi32, #tpu.memory_space<vmem>>)
    %parallel_loop3A_39 = arith.constant 0 : i32
    %parallel_loop3A_40 = arith.constant 625 : i32
    %parallel_loop3A_41 = arith.constant 1 : i32
    scf.for %parallel_loop3A_42 = %parallel_loop3A_39 to %parallel_loop3A_40 step %parallel_loop3A_41  : i32 {
      %parallel_loop3A_43 = arith.constant 16 : i32
      %parallel_loop3A_44 = arith.muli %parallel_loop3A_42, %parallel_loop3A_43 : i32
      %parallel_loop3A_45 = arith.index_cast %parallel_loop3A_44 : i32 to index
      %parallel_loop3A_46 = tpu.vector_load %arg7[%parallel_loop3A_45] {strides = array<i32>} : memref<10000xi32, #tpu.memory_space<vmem>>, vector<16xi32>,
      %parallel_loop3A_47 = arith.index_cast %parallel_loop3A_44 : i32 to index
      %parallel_loop3A_48 = tpu.vector_load %arg8[%parallel_loop3A_47] {strides = array<i32>} : memref<10000xi32, #tpu.memory_space<vmem>>, vector<16xi32>,
      %parallel_loop3A_49 = tpu.vector_load_idx %arg6[%parallel_loop3A_46] : memref<10000xf32, #tpu.memory_space<vmem>>[vector<16xi32>], vector<16xf32>,
      %parallel_loop3A_50 = tpu.vector_load_idx %arg6[%parallel_loop3A_48] : memref<10000xf32, #tpu.memory_space<vmem>>[vector<16xi32>], vector<16xf32>,
      %parallel_loop3A_51 = arith.subf %parallel_loop3A_49, %parallel_loop3A_50 : vector<16xf32>
      %parallel_loop3A_52 = arith.index_cast %parallel_loop3A_44 : i32 to index
      %parallel_loop3A_53 = tpu.vector_load %arg9[%parallel_loop3A_52] {strides = array<i32>} : memref<10000xf32, #tpu.memory_space<vmem>>, vector<16xf32>,
      tpu.vector_store %arg9[%parallel_loop3A_52], %parallel_loop3A_51 {strides = array<i32>} : memref<10000xf32, #tpu.memory_space<vmem>>, vector<16xf32>,
    } {sc.loop_unroll_factor = 25 : i64, sc.parallel_access}
    "tpu.region"() ({
      %run_scoped3A_42 = tpu.sem_alloc : memref<!tpu.dma_semaphore, #tpu.memory_space<semaphore_mem>>
      %dma_start3A_43 = tpu.memref_slice %arg5[%mul3A_2] : memref<320000xf32, #tpu.memory_space<hbm>> -> memref<10000xf32, #tpu.memory_space<hbm>>
      %dma_start3A_44 = tpu.memref_slice %arg5[%mul3A_2] : memref<320000xf32, #tpu.memory_space<hbm>> -> memref<10000xf32, #tpu.memory_space<hbm>>
      tpu.enqueue_dma source(%arg9 : memref<10000xf32, #tpu.memory_space<vmem>>) target(%dma_start3A_44 : memref<10000xf32, #tpu.memory_space<hbm>>) target_semaphore(%run_scoped3A_42 : memref<!tpu.dma_semaphore, #tpu.memory_space<semaphore_mem>>)
      %dma_wait3A_45 = tpu.memref_slice %arg5[%mul3A_2] : memref<320000xf32, #tpu.memory_space<hbm>> -> memref<10000xf32, #tpu.memory_space<hbm>>
      %dma_wait3A_46 = tpu.memref_slice %arg5[%mul3A_2] : memref<320000xf32, #tpu.memory_space<hbm>> -> memref<10000xf32, #tpu.memory_space<hbm>>
      tpu.wait_dma2 semaphore(%run_scoped3A_42 : memref<!tpu.dma_semaphore, #tpu.memory_space<semaphore_mem>>) src(%arg9 : memref<10000xf32, #tpu.memory_space<vmem>>) dst(%dma_wait3A_46 : memref<10000xf32, #tpu.memory_space<hbm>>)
      tpu.yield
    }) : () -> ()
    return
  }
}

#map = affine_map<(d0, d1) -> (0)>
module attributes {stable_mosaic.version = 14 : i64} {
  func.func @_scatter_body(%arg0: i32, %arg1: i32, %arg2: memref<320000xf32, #tpu.memory_space<hbm>>, %arg3: memref<320000xi32, #tpu.memory_space<hbm>>, %arg4: memref<320000xf32, #tpu.memory_space<hbm>>, %arg5: memref<20480xf32, #tpu.memory_space<hbm>>, %arg6: memref<10000xf32, #tpu.memory_space<vmem>>, %arg7: memref<10000xi32, #tpu.memory_space<vmem>>, %arg8: memref<10000xf32, #tpu.memory_space<vmem>>, %arg9: memref<10240xf32, #tpu.memory_space<vmem>>, %arg10: memref<16x640xf32, #tpu.memory_space<vmem>>, %arg11: memref<16x10240xf32, #tpu.memory_space<vmem_shared>>, %arg12: memref<!tpu.dma_semaphore, #tpu.memory_space<semaphore_mem>>) attributes {dimension_semantics = [#tpu.dimension_semantics<core_parallel>, #tpu.dimension_semantics<subcore_parallel>], iteration_bounds = array<i64: 2, 16>, scalar_prefetch = 0 : i64, scratch_operands = 7 : i64, tpu.core_type = #tpu.core_type<sc_vector_subcore>, window_params = [{transform_indices = #map}, {transform_indices = #map}, {transform_indices = #map}, {transform_indices = #map}]} {
    %mul3A = arith.constant 16 : i32
    %mul3A_0 = arith.muli %arg0, %mul3A : i32
    %add3A = arith.addi %mul3A_0, %arg1 : i32
    %mul3A_1 = arith.constant 10000 : i32
    %mul3A_2 = arith.muli %add3A, %mul3A_1 : i32
    %dma_start3A = tpu.memref_slice %arg2[%mul3A_2] : memref<320000xf32, #tpu.memory_space<hbm>> -> memref<10000xf32, #tpu.memory_space<hbm>>
    %dma_start3A_3 = tpu.memref_slice %arg2[%mul3A_2] : memref<320000xf32, #tpu.memory_space<hbm>> -> memref<10000xf32, #tpu.memory_space<hbm>>
    tpu.enqueue_dma source(%dma_start3A_3 : memref<10000xf32, #tpu.memory_space<hbm>>) target(%arg6 : memref<10000xf32, #tpu.memory_space<vmem>>) target_semaphore(%arg12 : memref<!tpu.dma_semaphore, #tpu.memory_space<semaphore_mem>>)
    %dma_start3A_4 = tpu.memref_slice %arg3[%mul3A_2] : memref<320000xi32, #tpu.memory_space<hbm>> -> memref<10000xi32, #tpu.memory_space<hbm>>
    %dma_start3A_5 = tpu.memref_slice %arg3[%mul3A_2] : memref<320000xi32, #tpu.memory_space<hbm>> -> memref<10000xi32, #tpu.memory_space<hbm>>
    tpu.enqueue_dma source(%dma_start3A_5 : memref<10000xi32, #tpu.memory_space<hbm>>) target(%arg7 : memref<10000xi32, #tpu.memory_space<vmem>>) target_semaphore(%arg12 : memref<!tpu.dma_semaphore, #tpu.memory_space<semaphore_mem>>)
    %dma_start3A_6 = tpu.memref_slice %arg4[%mul3A_2] : memref<320000xf32, #tpu.memory_space<hbm>> -> memref<10000xf32, #tpu.memory_space<hbm>>
    %dma_start3A_7 = tpu.memref_slice %arg4[%mul3A_2] : memref<320000xf32, #tpu.memory_space<hbm>> -> memref<10000xf32, #tpu.memory_space<hbm>>
    tpu.enqueue_dma source(%dma_start3A_7 : memref<10000xf32, #tpu.memory_space<hbm>>) target(%arg8 : memref<10000xf32, #tpu.memory_space<vmem>>) target_semaphore(%arg12 : memref<!tpu.dma_semaphore, #tpu.memory_space<semaphore_mem>>)
    %broadcast_in_dim3A = arith.constant 0.000000e+00 : f32
    %broadcast_in_dim3A_8 = vector.broadcast %broadcast_in_dim3A : f32 to vector<16xf32>
    %parallel_loop3A = arith.constant 0 : i32
    %parallel_loop3A_9 = arith.constant 640 : i32
    %parallel_loop3A_10 = arith.constant 1 : i32
    scf.for %parallel_loop3A_411 = %parallel_loop3A to %parallel_loop3A_9 step %parallel_loop3A_10  : i32 {
      %parallel_loop3A_412 = arith.constant 16 : i32
      %parallel_loop3A_413 = arith.muli %parallel_loop3A_411, %parallel_loop3A_412 : i32
      %parallel_loop3A_414 = arith.index_cast %parallel_loop3A_413 : i32 to index
      %parallel_loop3A_415 = tpu.vector_load %arg9[%parallel_loop3A_414] {strides = array<i32>} : memref<10240xf32, #tpu.memory_space<vmem>>, vector<16xf32>,
      tpu.vector_store %arg9[%parallel_loop3A_414], %broadcast_in_dim3A_8 {strides = array<i32>} : memref<10240xf32, #tpu.memory_space<vmem>>, vector<16xf32>,
    } {sc.loop_unroll_factor = 8 : i64, sc.parallel_access}
    %dma_wait3A = tpu.memref_slice %arg2[%mul3A_2] : memref<320000xf32, #tpu.memory_space<hbm>> -> memref<10000xf32, #tpu.memory_space<hbm>>
    %dma_wait3A_11 = tpu.memref_slice %arg2[%mul3A_2] : memref<320000xf32, #tpu.memory_space<hbm>> -> memref<10000xf32, #tpu.memory_space<hbm>>
    tpu.wait_dma2 semaphore(%arg12 : memref<!tpu.dma_semaphore, #tpu.memory_space<semaphore_mem>>) src(%dma_wait3A_11 : memref<10000xf32, #tpu.memory_space<hbm>>) dst(%arg6 : memref<10000xf32, #tpu.memory_space<vmem>>)
    %dma_wait3A_12 = tpu.memref_slice %arg3[%mul3A_2] : memref<320000xi32, #tpu.memory_space<hbm>> -> memref<10000xi32, #tpu.memory_space<hbm>>
    %dma_wait3A_13 = tpu.memref_slice %arg3[%mul3A_2] : memref<320000xi32, #tpu.memory_space<hbm>> -> memref<10000xi32, #tpu.memory_space<hbm>>
    tpu.wait_dma2 semaphore(%arg12 : memref<!tpu.dma_semaphore, #tpu.memory_space<semaphore_mem>>) src(%dma_wait3A_13 : memref<10000xi32, #tpu.memory_space<hbm>>) dst(%arg7 : memref<10000xi32, #tpu.memory_space<vmem>>)
    %dma_wait3A_14 = tpu.memref_slice %arg4[%mul3A_2] : memref<320000xf32, #tpu.memory_space<hbm>> -> memref<10000xf32, #tpu.memory_space<hbm>>
    %dma_wait3A_15 = tpu.memref_slice %arg4[%mul3A_2] : memref<320000xf32, #tpu.memory_space<hbm>> -> memref<10000xf32, #tpu.memory_space<hbm>>
    tpu.wait_dma2 semaphore(%arg12 : memref<!tpu.dma_semaphore, #tpu.memory_space<semaphore_mem>>) src(%dma_wait3A_15 : memref<10000xf32, #tpu.memory_space<hbm>>) dst(%arg8 : memref<10000xf32, #tpu.memory_space<vmem>>)
    %parallel_loop3A_16 = arith.constant 0 : i32
    %parallel_loop3A_17 = arith.constant 625 : i32
    %parallel_loop3A_18 = arith.constant 1 : i32
    scf.for %parallel_loop3A_411 = %parallel_loop3A_16 to %parallel_loop3A_17 step %parallel_loop3A_18  : i32 {
      %parallel_loop3A_412 = arith.constant 16 : i32
      %parallel_loop3A_413 = arith.muli %parallel_loop3A_411, %parallel_loop3A_412 : i32
      %parallel_loop3A_414 = arith.index_cast %parallel_loop3A_413 : i32 to index
      %parallel_loop3A_415 = tpu.vector_load %arg7[%parallel_loop3A_414] {strides = array<i32>} : memref<10000xi32, #tpu.memory_space<vmem>>, vector<16xi32>,
      %parallel_loop3A_416 = arith.index_cast %parallel_loop3A_413 : i32 to index
      %parallel_loop3A_417 = tpu.vector_load %arg6[%parallel_loop3A_416] {strides = array<i32>} : memref<10000xf32, #tpu.memory_space<vmem>>, vector<16xf32>,
      %parallel_loop3A_418 = arith.index_cast %parallel_loop3A_413 : i32 to index
      %parallel_loop3A_419 = tpu.vector_load %arg8[%parallel_loop3A_418] {strides = array<i32>} : memref<10000xf32, #tpu.memory_space<vmem>>, vector<16xf32>,
      %parallel_loop3A_420 = arith.mulf %parallel_loop3A_417, %parallel_loop3A_419 : vector<16xf32>
      tpu.vector_store_idx %arg9[%parallel_loop3A_415], %parallel_loop3A_420 {add = true} : memref<10240xf32, #tpu.memory_space<vmem>>[vector<16xi32>], vector<16xf32>,
    } {sc.loop_unroll_factor = 25 : i64, sc.parallel_access}
    "tpu.region"() ({
      %run_scoped3A_411 = tpu.sem_alloc : memref<!tpu.dma_semaphore, #tpu.memory_space<semaphore_mem>>
      %dma_start3A_412 = arith.constant 0 : i32
      %dma_start3A_413 = tpu.memref_slice %arg11[%arg1, %dma_start3A_412] : memref<16x10240xf32, #tpu.memory_space<vmem_shared>> -> memref<1x10240xf32, #tpu.memory_space<vmem_shared>>
      %dma_start3A_414 = tpu.memref_squeeze %dma_start3A_413 : memref<1x10240xf32, #tpu.memory_space<vmem_shared>> -> memref<10240xf32, #tpu.memory_space<vmem_shared>>
      %dma_start3A_415 = arith.constant 0 : i32
      %dma_start3A_416 = tpu.memref_slice %arg11[%arg1, %dma_start3A_415] : memref<16x10240xf32, #tpu.memory_space<vmem_shared>> -> memref<1x10240xf32, #tpu.memory_space<vmem_shared>>
      %dma_start3A_417 = tpu.memref_squeeze %dma_start3A_416 : memref<1x10240xf32, #tpu.memory_space<vmem_shared>> -> memref<10240xf32, #tpu.memory_space<vmem_shared>>
      tpu.enqueue_dma source(%arg9 : memref<10240xf32, #tpu.memory_space<vmem>>) target(%dma_start3A_417 : memref<10240xf32, #tpu.memory_space<vmem_shared>>) target_semaphore(%run_scoped3A_411 : memref<!tpu.dma_semaphore, #tpu.memory_space<semaphore_mem>>)
      %dma_wait3A_418 = arith.constant 0 : i32
      %dma_wait3A_419 = tpu.memref_slice %arg11[%arg1, %dma_wait3A_418] : memref<16x10240xf32, #tpu.memory_space<vmem_shared>> -> memref<1x10240xf32, #tpu.memory_space<vmem_shared>>
      %dma_wait3A_420 = tpu.memref_squeeze %dma_wait3A_419 : memref<1x10240xf32, #tpu.memory_space<vmem_shared>> -> memref<10240xf32, #tpu.memory_space<vmem_shared>>
      %dma_wait3A_421 = arith.constant 0 : i32
      %dma_wait3A_422 = tpu.memref_slice %arg11[%arg1, %dma_wait3A_421] : memref<16x10240xf32, #tpu.memory_space<vmem_shared>> -> memref<1x10240xf32, #tpu.memory_space<vmem_shared>>
      %dma_wait3A_423 = tpu.memref_squeeze %dma_wait3A_422 : memref<1x10240xf32, #tpu.memory_space<vmem_shared>> -> memref<10240xf32, #tpu.memory_space<vmem_shared>>
      tpu.wait_dma2 semaphore(%run_scoped3A_411 : memref<!tpu.dma_semaphore, #tpu.memory_space<semaphore_mem>>) src(%arg9 : memref<10240xf32, #tpu.memory_space<vmem>>) dst(%dma_wait3A_423 : memref<10240xf32, #tpu.memory_space<vmem_shared>>)
      tpu.yield
    }) : () -> ()
    %barrier3A = arith.constant 0 : index
    tpu.barrier barrier_id(%barrier3A)
    %mul3A_19 = arith.constant 640 : i32
    %mul3A_20 = arith.muli %arg1, %mul3A_19 : i32
    %dma_start3A_21 = arith.constant 0 : i32
    %dma_start3A_22 = arith.constant 0 : i32
    %dma_start3A_23 = arith.constant 0 : i32
    %dma_start3A_24 = tpu.memref_slice %arg10[%dma_start3A_22, %dma_start3A_23] : memref<16x640xf32, #tpu.memory_space<vmem>> -> memref<1x640xf32, #tpu.memory_space<vmem>>
    %dma_start3A_25 = tpu.memref_squeeze %dma_start3A_24 : memref<1x640xf32, #tpu.memory_space<vmem>> -> memref<640xf32, #tpu.memory_space<vmem>>
    %dma_start3A_26 = tpu.memref_slice %arg11[%dma_start3A_21, %mul3A_20] : memref<16x10240xf32, #tpu.memory_space<vmem_shared>> -> memref<1x640xf32, #tpu.memory_space<vmem_shared>>
    %dma_start3A_27 = tpu.memref_squeeze %dma_start3A_26 : memref<1x640xf32, #tpu.memory_space<vmem_shared>> -> memref<640xf32, #tpu.memory_space<vmem_shared>>
    %dma_start3A_28 = arith.constant 0 : i32
    %dma_start3A_29 = tpu.memref_slice %arg10[%dma_start3A_22, %dma_start3A_28] : memref<16x640xf32, #tpu.memory_space<vmem>> -> memref<1x640xf32, #tpu.memory_space<vmem>>
    %dma_start3A_30 = tpu.memref_squeeze %dma_start3A_29 : memref<1x640xf32, #tpu.memory_space<vmem>> -> memref<640xf32, #tpu.memory_space<vmem>>
    %dma_start3A_31 = tpu.memref_slice %arg11[%dma_start3A_21, %mul3A_20] : memref<16x10240xf32, #tpu.memory_space<vmem_shared>> -> memref<1x640xf32, #tpu.memory_space<vmem_shared>>
    %dma_start3A_32 = tpu.memref_squeeze %dma_start3A_31 : memref<1x640xf32, #tpu.memory_space<vmem_shared>> -> memref<640xf32, #tpu.memory_space<vmem_shared>>
    tpu.enqueue_dma source(%dma_start3A_32 : memref<640xf32, #tpu.memory_space<vmem_shared>>) target(%dma_start3A_30 : memref<640xf32, #tpu.memory_space<vmem>>) target_semaphore(%arg12 : memref<!tpu.dma_semaphore, #tpu.memory_space<semaphore_mem>>)
    %dma_start3A_33 = arith.constant 1 : i32
    %dma_start3A_34 = arith.constant 1 : i32
    %dma_start3A_35 = arith.constant 0 : i32
    %dma_start3A_36 = tpu.memref_slice %arg10[%dma_start3A_34, %dma_start3A_35] : memref<16x640xf32, #tpu.memory_space<vmem>> -> memref<1x640xf32, #tpu.memory_space<vmem>>
    %dma_start3A_37 = tpu.memref_squeeze %dma_start3A_36 : memref<1x640xf32, #tpu.memory_space<vmem>> -> memref<640xf32, #tpu.memory_space<vmem>>
    %dma_start3A_38 = tpu.memref_slice %arg11[%dma_start3A_33, %mul3A_20] : memref<16x10240xf32, #tpu.memory_space<vmem_shared>> -> memref<1x640xf32, #tpu.memory_space<vmem_shared>>
    %dma_start3A_39 = tpu.memref_squeeze %dma_start3A_38 : memref<1x640xf32, #tpu.memory_space<vmem_shared>> -> memref<640xf32, #tpu.memory_space<vmem_shared>>
    %dma_start3A_40 = arith.constant 0 : i32
    %dma_start3A_41 = tpu.memref_slice %arg10[%dma_start3A_34, %dma_start3A_40] : memref<16x640xf32, #tpu.memory_space<vmem>> -> memref<1x640xf32, #tpu.memory_space<vmem>>
    %dma_start3A_42 = tpu.memref_squeeze %dma_start3A_41 : memref<1x640xf32, #tpu.memory_space<vmem>> -> memref<640xf32, #tpu.memory_space<vmem>>
    %dma_start3A_43 = tpu.memref_slice %arg11[%dma_start3A_33, %mul3A_20] : memref<16x10240xf32, #tpu.memory_space<vmem_shared>> -> memref<1x640xf32, #tpu.memory_space<vmem_shared>>
    %dma_start3A_44 = tpu.memref_squeeze %dma_start3A_43 : memref<1x640xf32, #tpu.memory_space<vmem_shared>> -> memref<640xf32, #tpu.memory_space<vmem_shared>>
    tpu.enqueue_dma source(%dma_start3A_44 : memref<640xf32, #tpu.memory_space<vmem_shared>>) target(%dma_start3A_42 : memref<640xf32, #tpu.memory_space<vmem>>) target_semaphore(%arg12 : memref<!tpu.dma_semaphore, #tpu.memory_space<semaphore_mem>>)
    %dma_start3A_45 = arith.constant 2 : i32
    %dma_start3A_46 = arith.constant 2 : i32
    %dma_start3A_47 = arith.constant 0 : i32
    %dma_start3A_48 = tpu.memref_slice %arg10[%dma_start3A_46, %dma_start3A_47] : memref<16x640xf32, #tpu.memory_space<vmem>> -> memref<1x640xf32, #tpu.memory_space<vmem>>
    %dma_start3A_49 = tpu.memref_squeeze %dma_start3A_48 : memref<1x640xf32, #tpu.memory_space<vmem>> -> memref<640xf32, #tpu.memory_space<vmem>>
    %dma_start3A_50 = tpu.memref_slice %arg11[%dma_start3A_45, %mul3A_20] : memref<16x10240xf32, #tpu.memory_space<vmem_shared>> -> memref<1x640xf32, #tpu.memory_space<vmem_shared>>
    %dma_start3A_51 = tpu.memref_squeeze %dma_start3A_50 : memref<1x640xf32, #tpu.memory_space<vmem_shared>> -> memref<640xf32, #tpu.memory_space<vmem_shared>>
    %dma_start3A_52 = arith.constant 0 : i32
    %dma_start3A_53 = tpu.memref_slice %arg10[%dma_start3A_46, %dma_start3A_52] : memref<16x640xf32, #tpu.memory_space<vmem>> -> memref<1x640xf32, #tpu.memory_space<vmem>>
    %dma_start3A_54 = tpu.memref_squeeze %dma_start3A_53 : memref<1x640xf32, #tpu.memory_space<vmem>> -> memref<640xf32, #tpu.memory_space<vmem>>
    %dma_start3A_55 = tpu.memref_slice %arg11[%dma_start3A_45, %mul3A_20] : memref<16x10240xf32, #tpu.memory_space<vmem_shared>> -> memref<1x640xf32, #tpu.memory_space<vmem_shared>>
    %dma_start3A_56 = tpu.memref_squeeze %dma_start3A_55 : memref<1x640xf32, #tpu.memory_space<vmem_shared>> -> memref<640xf32, #tpu.memory_space<vmem_shared>>
    tpu.enqueue_dma source(%dma_start3A_56 : memref<640xf32, #tpu.memory_space<vmem_shared>>) target(%dma_start3A_54 : memref<640xf32, #tpu.memory_space<vmem>>) target_semaphore(%arg12 : memref<!tpu.dma_semaphore, #tpu.memory_space<semaphore_mem>>)
    %dma_start3A_57 = arith.constant 3 : i32
    %dma_start3A_58 = arith.constant 3 : i32
    %dma_start3A_59 = arith.constant 0 : i32
    %dma_start3A_60 = tpu.memref_slice %arg10[%dma_start3A_58, %dma_start3A_59] : memref<16x640xf32, #tpu.memory_space<vmem>> -> memref<1x640xf32, #tpu.memory_space<vmem>>
    %dma_start3A_61 = tpu.memref_squeeze %dma_start3A_60 : memref<1x640xf32, #tpu.memory_space<vmem>> -> memref<640xf32, #tpu.memory_space<vmem>>
    %dma_start3A_62 = tpu.memref_slice %arg11[%dma_start3A_57, %mul3A_20] : memref<16x10240xf32, #tpu.memory_space<vmem_shared>> -> memref<1x640xf32, #tpu.memory_space<vmem_shared>>
    %dma_start3A_63 = tpu.memref_squeeze %dma_start3A_62 : memref<1x640xf32, #tpu.memory_space<vmem_shared>> -> memref<640xf32, #tpu.memory_space<vmem_shared>>
    %dma_start3A_64 = arith.constant 0 : i32
    %dma_start3A_65 = tpu.memref_slice %arg10[%dma_start3A_58, %dma_start3A_64] : memref<16x640xf32, #tpu.memory_space<vmem>> -> memref<1x640xf32, #tpu.memory_space<vmem>>
    %dma_start3A_66 = tpu.memref_squeeze %dma_start3A_65 : memref<1x640xf32, #tpu.memory_space<vmem>> -> memref<640xf32, #tpu.memory_space<vmem>>
    %dma_start3A_67 = tpu.memref_slice %arg11[%dma_start3A_57, %mul3A_20] : memref<16x10240xf32, #tpu.memory_space<vmem_shared>> -> memref<1x640xf32, #tpu.memory_space<vmem_shared>>
    %dma_start3A_68 = tpu.memref_squeeze %dma_start3A_67 : memref<1x640xf32, #tpu.memory_space<vmem_shared>> -> memref<640xf32, #tpu.memory_space<vmem_shared>>
    tpu.enqueue_dma source(%dma_start3A_68 : memref<640xf32, #tpu.memory_space<vmem_shared>>) target(%dma_start3A_66 : memref<640xf32, #tpu.memory_space<vmem>>) target_semaphore(%arg12 : memref<!tpu.dma_semaphore, #tpu.memory_space<semaphore_mem>>)
    %dma_start3A_69 = arith.constant 4 : i32
    %dma_start3A_70 = arith.constant 4 : i32
    %dma_start3A_71 = arith.constant 0 : i32
    %dma_start3A_72 = tpu.memref_slice %arg10[%dma_start3A_70, %dma_start3A_71] : memref<16x640xf32, #tpu.memory_space<vmem>> -> memref<1x640xf32, #tpu.memory_space<vmem>>
    %dma_start3A_73 = tpu.memref_squeeze %dma_start3A_72 : memref<1x640xf32, #tpu.memory_space<vmem>> -> memref<640xf32, #tpu.memory_space<vmem>>
    %dma_start3A_74 = tpu.memref_slice %arg11[%dma_start3A_69, %mul3A_20] : memref<16x10240xf32, #tpu.memory_space<vmem_shared>> -> memref<1x640xf32, #tpu.memory_space<vmem_shared>>
    %dma_start3A_75 = tpu.memref_squeeze %dma_start3A_74 : memref<1x640xf32, #tpu.memory_space<vmem_shared>> -> memref<640xf32, #tpu.memory_space<vmem_shared>>
    %dma_start3A_76 = arith.constant 0 : i32
    %dma_start3A_77 = tpu.memref_slice %arg10[%dma_start3A_70, %dma_start3A_76] : memref<16x640xf32, #tpu.memory_space<vmem>> -> memref<1x640xf32, #tpu.memory_space<vmem>>
    %dma_start3A_78 = tpu.memref_squeeze %dma_start3A_77 : memref<1x640xf32, #tpu.memory_space<vmem>> -> memref<640xf32, #tpu.memory_space<vmem>>
    %dma_start3A_79 = tpu.memref_slice %arg11[%dma_start3A_69, %mul3A_20] : memref<16x10240xf32, #tpu.memory_space<vmem_shared>> -> memref<1x640xf32, #tpu.memory_space<vmem_shared>>
    %dma_start3A_80 = tpu.memref_squeeze %dma_start3A_79 : memref<1x640xf32, #tpu.memory_space<vmem_shared>> -> memref<640xf32, #tpu.memory_space<vmem_shared>>
    tpu.enqueue_dma source(%dma_start3A_80 : memref<640xf32, #tpu.memory_space<vmem_shared>>) target(%dma_start3A_78 : memref<640xf32, #tpu.memory_space<vmem>>) target_semaphore(%arg12 : memref<!tpu.dma_semaphore, #tpu.memory_space<semaphore_mem>>)
    %dma_start3A_81 = arith.constant 5 : i32
    %dma_start3A_82 = arith.constant 5 : i32
    %dma_start3A_83 = arith.constant 0 : i32
    %dma_start3A_84 = tpu.memref_slice %arg10[%dma_start3A_82, %dma_start3A_83] : memref<16x640xf32, #tpu.memory_space<vmem>> -> memref<1x640xf32, #tpu.memory_space<vmem>>
    %dma_start3A_85 = tpu.memref_squeeze %dma_start3A_84 : memref<1x640xf32, #tpu.memory_space<vmem>> -> memref<640xf32, #tpu.memory_space<vmem>>
    %dma_start3A_86 = tpu.memref_slice %arg11[%dma_start3A_81, %mul3A_20] : memref<16x10240xf32, #tpu.memory_space<vmem_shared>> -> memref<1x640xf32, #tpu.memory_space<vmem_shared>>
    %dma_start3A_87 = tpu.memref_squeeze %dma_start3A_86 : memref<1x640xf32, #tpu.memory_space<vmem_shared>> -> memref<640xf32, #tpu.memory_space<vmem_shared>>
    %dma_start3A_88 = arith.constant 0 : i32
    %dma_start3A_89 = tpu.memref_slice %arg10[%dma_start3A_82, %dma_start3A_88] : memref<16x640xf32, #tpu.memory_space<vmem>> -> memref<1x640xf32, #tpu.memory_space<vmem>>
    %dma_start3A_90 = tpu.memref_squeeze %dma_start3A_89 : memref<1x640xf32, #tpu.memory_space<vmem>> -> memref<640xf32, #tpu.memory_space<vmem>>
    %dma_start3A_91 = tpu.memref_slice %arg11[%dma_start3A_81, %mul3A_20] : memref<16x10240xf32, #tpu.memory_space<vmem_shared>> -> memref<1x640xf32, #tpu.memory_space<vmem_shared>>
    %dma_start3A_92 = tpu.memref_squeeze %dma_start3A_91 : memref<1x640xf32, #tpu.memory_space<vmem_shared>> -> memref<640xf32, #tpu.memory_space<vmem_shared>>
    tpu.enqueue_dma source(%dma_start3A_92 : memref<640xf32, #tpu.memory_space<vmem_shared>>) target(%dma_start3A_90 : memref<640xf32, #tpu.memory_space<vmem>>) target_semaphore(%arg12 : memref<!tpu.dma_semaphore, #tpu.memory_space<semaphore_mem>>)
    %dma_start3A_93 = arith.constant 6 : i32
    %dma_start3A_94 = arith.constant 6 : i32
    %dma_start3A_95 = arith.constant 0 : i32
    %dma_start3A_96 = tpu.memref_slice %arg10[%dma_start3A_94, %dma_start3A_95] : memref<16x640xf32, #tpu.memory_space<vmem>> -> memref<1x640xf32, #tpu.memory_space<vmem>>
    %dma_start3A_97 = tpu.memref_squeeze %dma_start3A_96 : memref<1x640xf32, #tpu.memory_space<vmem>> -> memref<640xf32, #tpu.memory_space<vmem>>
    %dma_start3A_98 = tpu.memref_slice %arg11[%dma_start3A_93, %mul3A_20] : memref<16x10240xf32, #tpu.memory_space<vmem_shared>> -> memref<1x640xf32, #tpu.memory_space<vmem_shared>>
    %dma_start3A_99 = tpu.memref_squeeze %dma_start3A_98 : memref<1x640xf32, #tpu.memory_space<vmem_shared>> -> memref<640xf32, #tpu.memory_space<vmem_shared>>
    %dma_start3A_100 = arith.constant 0 : i32
    %dma_start3A_101 = tpu.memref_slice %arg10[%dma_start3A_94, %dma_start3A_100] : memref<16x640xf32, #tpu.memory_space<vmem>> -> memref<1x640xf32, #tpu.memory_space<vmem>>
    %dma_start3A_102 = tpu.memref_squeeze %dma_start3A_101 : memref<1x640xf32, #tpu.memory_space<vmem>> -> memref<640xf32, #tpu.memory_space<vmem>>
    %dma_start3A_103 = tpu.memref_slice %arg11[%dma_start3A_93, %mul3A_20] : memref<16x10240xf32, #tpu.memory_space<vmem_shared>> -> memref<1x640xf32, #tpu.memory_space<vmem_shared>>
    %dma_start3A_104 = tpu.memref_squeeze %dma_start3A_103 : memref<1x640xf32, #tpu.memory_space<vmem_shared>> -> memref<640xf32, #tpu.memory_space<vmem_shared>>
    tpu.enqueue_dma source(%dma_start3A_104 : memref<640xf32, #tpu.memory_space<vmem_shared>>) target(%dma_start3A_102 : memref<640xf32, #tpu.memory_space<vmem>>) target_semaphore(%arg12 : memref<!tpu.dma_semaphore, #tpu.memory_space<semaphore_mem>>)
    %dma_start3A_105 = arith.constant 7 : i32
    %dma_start3A_106 = arith.constant 7 : i32
    %dma_start3A_107 = arith.constant 0 : i32
    %dma_start3A_108 = tpu.memref_slice %arg10[%dma_start3A_106, %dma_start3A_107] : memref<16x640xf32, #tpu.memory_space<vmem>> -> memref<1x640xf32, #tpu.memory_space<vmem>>
    %dma_start3A_109 = tpu.memref_squeeze %dma_start3A_108 : memref<1x640xf32, #tpu.memory_space<vmem>> -> memref<640xf32, #tpu.memory_space<vmem>>
    %dma_start3A_110 = tpu.memref_slice %arg11[%dma_start3A_105, %mul3A_20] : memref<16x10240xf32, #tpu.memory_space<vmem_shared>> -> memref<1x640xf32, #tpu.memory_space<vmem_shared>>
    %dma_start3A_111 = tpu.memref_squeeze %dma_start3A_110 : memref<1x640xf32, #tpu.memory_space<vmem_shared>> -> memref<640xf32, #tpu.memory_space<vmem_shared>>
    %dma_start3A_112 = arith.constant 0 : i32
    %dma_start3A_113 = tpu.memref_slice %arg10[%dma_start3A_106, %dma_start3A_112] : memref<16x640xf32, #tpu.memory_space<vmem>> -> memref<1x640xf32, #tpu.memory_space<vmem>>
    %dma_start3A_114 = tpu.memref_squeeze %dma_start3A_113 : memref<1x640xf32, #tpu.memory_space<vmem>> -> memref<640xf32, #tpu.memory_space<vmem>>
    %dma_start3A_115 = tpu.memref_slice %arg11[%dma_start3A_105, %mul3A_20] : memref<16x10240xf32, #tpu.memory_space<vmem_shared>> -> memref<1x640xf32, #tpu.memory_space<vmem_shared>>
    %dma_start3A_116 = tpu.memref_squeeze %dma_start3A_115 : memref<1x640xf32, #tpu.memory_space<vmem_shared>> -> memref<640xf32, #tpu.memory_space<vmem_shared>>
    tpu.enqueue_dma source(%dma_start3A_116 : memref<640xf32, #tpu.memory_space<vmem_shared>>) target(%dma_start3A_114 : memref<640xf32, #tpu.memory_space<vmem>>) target_semaphore(%arg12 : memref<!tpu.dma_semaphore, #tpu.memory_space<semaphore_mem>>)
    %dma_start3A_117 = arith.constant 8 : i32
    %dma_start3A_118 = arith.constant 8 : i32
    %dma_start3A_119 = arith.constant 0 : i32
    %dma_start3A_120 = tpu.memref_slice %arg10[%dma_start3A_118, %dma_start3A_119] : memref<16x640xf32, #tpu.memory_space<vmem>> -> memref<1x640xf32, #tpu.memory_space<vmem>>
    %dma_start3A_121 = tpu.memref_squeeze %dma_start3A_120 : memref<1x640xf32, #tpu.memory_space<vmem>> -> memref<640xf32, #tpu.memory_space<vmem>>
    %dma_start3A_122 = tpu.memref_slice %arg11[%dma_start3A_117, %mul3A_20] : memref<16x10240xf32, #tpu.memory_space<vmem_shared>> -> memref<1x640xf32, #tpu.memory_space<vmem_shared>>
    %dma_start3A_123 = tpu.memref_squeeze %dma_start3A_122 : memref<1x640xf32, #tpu.memory_space<vmem_shared>> -> memref<640xf32, #tpu.memory_space<vmem_shared>>
    %dma_start3A_124 = arith.constant 0 : i32
    %dma_start3A_125 = tpu.memref_slice %arg10[%dma_start3A_118, %dma_start3A_124] : memref<16x640xf32, #tpu.memory_space<vmem>> -> memref<1x640xf32, #tpu.memory_space<vmem>>
    %dma_start3A_126 = tpu.memref_squeeze %dma_start3A_125 : memref<1x640xf32, #tpu.memory_space<vmem>> -> memref<640xf32, #tpu.memory_space<vmem>>
    %dma_start3A_127 = tpu.memref_slice %arg11[%dma_start3A_117, %mul3A_20] : memref<16x10240xf32, #tpu.memory_space<vmem_shared>> -> memref<1x640xf32, #tpu.memory_space<vmem_shared>>
    %dma_start3A_128 = tpu.memref_squeeze %dma_start3A_127 : memref<1x640xf32, #tpu.memory_space<vmem_shared>> -> memref<640xf32, #tpu.memory_space<vmem_shared>>
    tpu.enqueue_dma source(%dma_start3A_128 : memref<640xf32, #tpu.memory_space<vmem_shared>>) target(%dma_start3A_126 : memref<640xf32, #tpu.memory_space<vmem>>) target_semaphore(%arg12 : memref<!tpu.dma_semaphore, #tpu.memory_space<semaphore_mem>>)
    %dma_start3A_129 = arith.constant 9 : i32
    %dma_start3A_130 = arith.constant 9 : i32
    %dma_start3A_131 = arith.constant 0 : i32
    %dma_start3A_132 = tpu.memref_slice %arg10[%dma_start3A_130, %dma_start3A_131] : memref<16x640xf32, #tpu.memory_space<vmem>> -> memref<1x640xf32, #tpu.memory_space<vmem>>
    %dma_start3A_133 = tpu.memref_squeeze %dma_start3A_132 : memref<1x640xf32, #tpu.memory_space<vmem>> -> memref<640xf32, #tpu.memory_space<vmem>>
    %dma_start3A_134 = tpu.memref_slice %arg11[%dma_start3A_129, %mul3A_20] : memref<16x10240xf32, #tpu.memory_space<vmem_shared>> -> memref<1x640xf32, #tpu.memory_space<vmem_shared>>
    %dma_start3A_135 = tpu.memref_squeeze %dma_start3A_134 : memref<1x640xf32, #tpu.memory_space<vmem_shared>> -> memref<640xf32, #tpu.memory_space<vmem_shared>>
    %dma_start3A_136 = arith.constant 0 : i32
    %dma_start3A_137 = tpu.memref_slice %arg10[%dma_start3A_130, %dma_start3A_136] : memref<16x640xf32, #tpu.memory_space<vmem>> -> memref<1x640xf32, #tpu.memory_space<vmem>>
    %dma_start3A_138 = tpu.memref_squeeze %dma_start3A_137 : memref<1x640xf32, #tpu.memory_space<vmem>> -> memref<640xf32, #tpu.memory_space<vmem>>
    %dma_start3A_139 = tpu.memref_slice %arg11[%dma_start3A_129, %mul3A_20] : memref<16x10240xf32, #tpu.memory_space<vmem_shared>> -> memref<1x640xf32, #tpu.memory_space<vmem_shared>>
    %dma_start3A_140 = tpu.memref_squeeze %dma_start3A_139 : memref<1x640xf32, #tpu.memory_space<vmem_shared>> -> memref<640xf32, #tpu.memory_space<vmem_shared>>
    tpu.enqueue_dma source(%dma_start3A_140 : memref<640xf32, #tpu.memory_space<vmem_shared>>) target(%dma_start3A_138 : memref<640xf32, #tpu.memory_space<vmem>>) target_semaphore(%arg12 : memref<!tpu.dma_semaphore, #tpu.memory_space<semaphore_mem>>)
    %dma_start3A_141 = arith.constant 10 : i32
    %dma_start3A_142 = arith.constant 10 : i32
    %dma_start3A_143 = arith.constant 0 : i32
    %dma_start3A_144 = tpu.memref_slice %arg10[%dma_start3A_142, %dma_start3A_143] : memref<16x640xf32, #tpu.memory_space<vmem>> -> memref<1x640xf32, #tpu.memory_space<vmem>>
    %dma_start3A_145 = tpu.memref_squeeze %dma_start3A_144 : memref<1x640xf32, #tpu.memory_space<vmem>> -> memref<640xf32, #tpu.memory_space<vmem>>
    %dma_start3A_146 = tpu.memref_slice %arg11[%dma_start3A_141, %mul3A_20] : memref<16x10240xf32, #tpu.memory_space<vmem_shared>> -> memref<1x640xf32, #tpu.memory_space<vmem_shared>>
    %dma_start3A_147 = tpu.memref_squeeze %dma_start3A_146 : memref<1x640xf32, #tpu.memory_space<vmem_shared>> -> memref<640xf32, #tpu.memory_space<vmem_shared>>
    %dma_start3A_148 = arith.constant 0 : i32
    %dma_start3A_149 = tpu.memref_slice %arg10[%dma_start3A_142, %dma_start3A_148] : memref<16x640xf32, #tpu.memory_space<vmem>> -> memref<1x640xf32, #tpu.memory_space<vmem>>
    %dma_start3A_150 = tpu.memref_squeeze %dma_start3A_149 : memref<1x640xf32, #tpu.memory_space<vmem>> -> memref<640xf32, #tpu.memory_space<vmem>>
    %dma_start3A_151 = tpu.memref_slice %arg11[%dma_start3A_141, %mul3A_20] : memref<16x10240xf32, #tpu.memory_space<vmem_shared>> -> memref<1x640xf32, #tpu.memory_space<vmem_shared>>
    %dma_start3A_152 = tpu.memref_squeeze %dma_start3A_151 : memref<1x640xf32, #tpu.memory_space<vmem_shared>> -> memref<640xf32, #tpu.memory_space<vmem_shared>>
    tpu.enqueue_dma source(%dma_start3A_152 : memref<640xf32, #tpu.memory_space<vmem_shared>>) target(%dma_start3A_150 : memref<640xf32, #tpu.memory_space<vmem>>) target_semaphore(%arg12 : memref<!tpu.dma_semaphore, #tpu.memory_space<semaphore_mem>>)
    %dma_start3A_153 = arith.constant 11 : i32
    %dma_start3A_154 = arith.constant 11 : i32
    %dma_start3A_155 = arith.constant 0 : i32
    %dma_start3A_156 = tpu.memref_slice %arg10[%dma_start3A_154, %dma_start3A_155] : memref<16x640xf32, #tpu.memory_space<vmem>> -> memref<1x640xf32, #tpu.memory_space<vmem>>
    %dma_start3A_157 = tpu.memref_squeeze %dma_start3A_156 : memref<1x640xf32, #tpu.memory_space<vmem>> -> memref<640xf32, #tpu.memory_space<vmem>>
    %dma_start3A_158 = tpu.memref_slice %arg11[%dma_start3A_153, %mul3A_20] : memref<16x10240xf32, #tpu.memory_space<vmem_shared>> -> memref<1x640xf32, #tpu.memory_space<vmem_shared>>
    %dma_start3A_159 = tpu.memref_squeeze %dma_start3A_158 : memref<1x640xf32, #tpu.memory_space<vmem_shared>> -> memref<640xf32, #tpu.memory_space<vmem_shared>>
    %dma_start3A_160 = arith.constant 0 : i32
    %dma_start3A_161 = tpu.memref_slice %arg10[%dma_start3A_154, %dma_start3A_160] : memref<16x640xf32, #tpu.memory_space<vmem>> -> memref<1x640xf32, #tpu.memory_space<vmem>>
    %dma_start3A_162 = tpu.memref_squeeze %dma_start3A_161 : memref<1x640xf32, #tpu.memory_space<vmem>> -> memref<640xf32, #tpu.memory_space<vmem>>
    %dma_start3A_163 = tpu.memref_slice %arg11[%dma_start3A_153, %mul3A_20] : memref<16x10240xf32, #tpu.memory_space<vmem_shared>> -> memref<1x640xf32, #tpu.memory_space<vmem_shared>>
    %dma_start3A_164 = tpu.memref_squeeze %dma_start3A_163 : memref<1x640xf32, #tpu.memory_space<vmem_shared>> -> memref<640xf32, #tpu.memory_space<vmem_shared>>
    tpu.enqueue_dma source(%dma_start3A_164 : memref<640xf32, #tpu.memory_space<vmem_shared>>) target(%dma_start3A_162 : memref<640xf32, #tpu.memory_space<vmem>>) target_semaphore(%arg12 : memref<!tpu.dma_semaphore, #tpu.memory_space<semaphore_mem>>)
    %dma_start3A_165 = arith.constant 12 : i32
    %dma_start3A_166 = arith.constant 12 : i32
    %dma_start3A_167 = arith.constant 0 : i32
    %dma_start3A_168 = tpu.memref_slice %arg10[%dma_start3A_166, %dma_start3A_167] : memref<16x640xf32, #tpu.memory_space<vmem>> -> memref<1x640xf32, #tpu.memory_space<vmem>>
    %dma_start3A_169 = tpu.memref_squeeze %dma_start3A_168 : memref<1x640xf32, #tpu.memory_space<vmem>> -> memref<640xf32, #tpu.memory_space<vmem>>
    %dma_start3A_170 = tpu.memref_slice %arg11[%dma_start3A_165, %mul3A_20] : memref<16x10240xf32, #tpu.memory_space<vmem_shared>> -> memref<1x640xf32, #tpu.memory_space<vmem_shared>>
    %dma_start3A_171 = tpu.memref_squeeze %dma_start3A_170 : memref<1x640xf32, #tpu.memory_space<vmem_shared>> -> memref<640xf32, #tpu.memory_space<vmem_shared>>
    %dma_start3A_172 = arith.constant 0 : i32
    %dma_start3A_173 = tpu.memref_slice %arg10[%dma_start3A_166, %dma_start3A_172] : memref<16x640xf32, #tpu.memory_space<vmem>> -> memref<1x640xf32, #tpu.memory_space<vmem>>
    %dma_start3A_174 = tpu.memref_squeeze %dma_start3A_173 : memref<1x640xf32, #tpu.memory_space<vmem>> -> memref<640xf32, #tpu.memory_space<vmem>>
    %dma_start3A_175 = tpu.memref_slice %arg11[%dma_start3A_165, %mul3A_20] : memref<16x10240xf32, #tpu.memory_space<vmem_shared>> -> memref<1x640xf32, #tpu.memory_space<vmem_shared>>
    %dma_start3A_176 = tpu.memref_squeeze %dma_start3A_175 : memref<1x640xf32, #tpu.memory_space<vmem_shared>> -> memref<640xf32, #tpu.memory_space<vmem_shared>>
    tpu.enqueue_dma source(%dma_start3A_176 : memref<640xf32, #tpu.memory_space<vmem_shared>>) target(%dma_start3A_174 : memref<640xf32, #tpu.memory_space<vmem>>) target_semaphore(%arg12 : memref<!tpu.dma_semaphore, #tpu.memory_space<semaphore_mem>>)
    %dma_start3A_177 = arith.constant 13 : i32
    %dma_start3A_178 = arith.constant 13 : i32
    %dma_start3A_179 = arith.constant 0 : i32
    %dma_start3A_180 = tpu.memref_slice %arg10[%dma_start3A_178, %dma_start3A_179] : memref<16x640xf32, #tpu.memory_space<vmem>> -> memref<1x640xf32, #tpu.memory_space<vmem>>
    %dma_start3A_181 = tpu.memref_squeeze %dma_start3A_180 : memref<1x640xf32, #tpu.memory_space<vmem>> -> memref<640xf32, #tpu.memory_space<vmem>>
    %dma_start3A_182 = tpu.memref_slice %arg11[%dma_start3A_177, %mul3A_20] : memref<16x10240xf32, #tpu.memory_space<vmem_shared>> -> memref<1x640xf32, #tpu.memory_space<vmem_shared>>
    %dma_start3A_183 = tpu.memref_squeeze %dma_start3A_182 : memref<1x640xf32, #tpu.memory_space<vmem_shared>> -> memref<640xf32, #tpu.memory_space<vmem_shared>>
    %dma_start3A_184 = arith.constant 0 : i32
    %dma_start3A_185 = tpu.memref_slice %arg10[%dma_start3A_178, %dma_start3A_184] : memref<16x640xf32, #tpu.memory_space<vmem>> -> memref<1x640xf32, #tpu.memory_space<vmem>>
    %dma_start3A_186 = tpu.memref_squeeze %dma_start3A_185 : memref<1x640xf32, #tpu.memory_space<vmem>> -> memref<640xf32, #tpu.memory_space<vmem>>
    %dma_start3A_187 = tpu.memref_slice %arg11[%dma_start3A_177, %mul3A_20] : memref<16x10240xf32, #tpu.memory_space<vmem_shared>> -> memref<1x640xf32, #tpu.memory_space<vmem_shared>>
    %dma_start3A_188 = tpu.memref_squeeze %dma_start3A_187 : memref<1x640xf32, #tpu.memory_space<vmem_shared>> -> memref<640xf32, #tpu.memory_space<vmem_shared>>
    tpu.enqueue_dma source(%dma_start3A_188 : memref<640xf32, #tpu.memory_space<vmem_shared>>) target(%dma_start3A_186 : memref<640xf32, #tpu.memory_space<vmem>>) target_semaphore(%arg12 : memref<!tpu.dma_semaphore, #tpu.memory_space<semaphore_mem>>)
    %dma_start3A_189 = arith.constant 14 : i32
    %dma_start3A_190 = arith.constant 14 : i32
    %dma_start3A_191 = arith.constant 0 : i32
    %dma_start3A_192 = tpu.memref_slice %arg10[%dma_start3A_190, %dma_start3A_191] : memref<16x640xf32, #tpu.memory_space<vmem>> -> memref<1x640xf32, #tpu.memory_space<vmem>>
    %dma_start3A_193 = tpu.memref_squeeze %dma_start3A_192 : memref<1x640xf32, #tpu.memory_space<vmem>> -> memref<640xf32, #tpu.memory_space<vmem>>
    %dma_start3A_194 = tpu.memref_slice %arg11[%dma_start3A_189, %mul3A_20] : memref<16x10240xf32, #tpu.memory_space<vmem_shared>> -> memref<1x640xf32, #tpu.memory_space<vmem_shared>>
    %dma_start3A_195 = tpu.memref_squeeze %dma_start3A_194 : memref<1x640xf32, #tpu.memory_space<vmem_shared>> -> memref<640xf32, #tpu.memory_space<vmem_shared>>
    %dma_start3A_196 = arith.constant 0 : i32
    %dma_start3A_197 = tpu.memref_slice %arg10[%dma_start3A_190, %dma_start3A_196] : memref<16x640xf32, #tpu.memory_space<vmem>> -> memref<1x640xf32, #tpu.memory_space<vmem>>
    %dma_start3A_198 = tpu.memref_squeeze %dma_start3A_197 : memref<1x640xf32, #tpu.memory_space<vmem>> -> memref<640xf32, #tpu.memory_space<vmem>>
    %dma_start3A_199 = tpu.memref_slice %arg11[%dma_start3A_189, %mul3A_20] : memref<16x10240xf32, #tpu.memory_space<vmem_shared>> -> memref<1x640xf32, #tpu.memory_space<vmem_shared>>
    %dma_start3A_200 = tpu.memref_squeeze %dma_start3A_199 : memref<1x640xf32, #tpu.memory_space<vmem_shared>> -> memref<640xf32, #tpu.memory_space<vmem_shared>>
    tpu.enqueue_dma source(%dma_start3A_200 : memref<640xf32, #tpu.memory_space<vmem_shared>>) target(%dma_start3A_198 : memref<640xf32, #tpu.memory_space<vmem>>) target_semaphore(%arg12 : memref<!tpu.dma_semaphore, #tpu.memory_space<semaphore_mem>>)
    %dma_start3A_201 = arith.constant 15 : i32
    %dma_start3A_202 = arith.constant 15 : i32
    %dma_start3A_203 = arith.constant 0 : i32
    %dma_start3A_204 = tpu.memref_slice %arg10[%dma_start3A_202, %dma_start3A_203] : memref<16x640xf32, #tpu.memory_space<vmem>> -> memref<1x640xf32, #tpu.memory_space<vmem>>
    %dma_start3A_205 = tpu.memref_squeeze %dma_start3A_204 : memref<1x640xf32, #tpu.memory_space<vmem>> -> memref<640xf32, #tpu.memory_space<vmem>>
    %dma_start3A_206 = tpu.memref_slice %arg11[%dma_start3A_201, %mul3A_20] : memref<16x10240xf32, #tpu.memory_space<vmem_shared>> -> memref<1x640xf32, #tpu.memory_space<vmem_shared>>
    %dma_start3A_207 = tpu.memref_squeeze %dma_start3A_206 : memref<1x640xf32, #tpu.memory_space<vmem_shared>> -> memref<640xf32, #tpu.memory_space<vmem_shared>>
    %dma_start3A_208 = arith.constant 0 : i32
    %dma_start3A_209 = tpu.memref_slice %arg10[%dma_start3A_202, %dma_start3A_208] : memref<16x640xf32, #tpu.memory_space<vmem>> -> memref<1x640xf32, #tpu.memory_space<vmem>>
    %dma_start3A_210 = tpu.memref_squeeze %dma_start3A_209 : memref<1x640xf32, #tpu.memory_space<vmem>> -> memref<640xf32, #tpu.memory_space<vmem>>
    %dma_start3A_211 = tpu.memref_slice %arg11[%dma_start3A_201, %mul3A_20] : memref<16x10240xf32, #tpu.memory_space<vmem_shared>> -> memref<1x640xf32, #tpu.memory_space<vmem_shared>>
    %dma_start3A_212 = tpu.memref_squeeze %dma_start3A_211 : memref<1x640xf32, #tpu.memory_space<vmem_shared>> -> memref<640xf32, #tpu.memory_space<vmem_shared>>
    tpu.enqueue_dma source(%dma_start3A_212 : memref<640xf32, #tpu.memory_space<vmem_shared>>) target(%dma_start3A_210 : memref<640xf32, #tpu.memory_space<vmem>>) target_semaphore(%arg12 : memref<!tpu.dma_semaphore, #tpu.memory_space<semaphore_mem>>)
    %dma_wait3A_213 = arith.constant 0 : i32
    %dma_wait3A_214 = arith.constant 0 : i32
    %dma_wait3A_215 = arith.constant 0 : i32
    %dma_wait3A_216 = tpu.memref_slice %arg10[%dma_wait3A_214, %dma_wait3A_215] : memref<16x640xf32, #tpu.memory_space<vmem>> -> memref<1x640xf32, #tpu.memory_space<vmem>>
    %dma_wait3A_217 = tpu.memref_squeeze %dma_wait3A_216 : memref<1x640xf32, #tpu.memory_space<vmem>> -> memref<640xf32, #tpu.memory_space<vmem>>
    %dma_wait3A_218 = tpu.memref_slice %arg11[%dma_wait3A_213, %mul3A_20] : memref<16x10240xf32, #tpu.memory_space<vmem_shared>> -> memref<1x640xf32, #tpu.memory_space<vmem_shared>>
    %dma_wait3A_219 = tpu.memref_squeeze %dma_wait3A_218 : memref<1x640xf32, #tpu.memory_space<vmem_shared>> -> memref<640xf32, #tpu.memory_space<vmem_shared>>
    %dma_wait3A_220 = arith.constant 0 : i32
    %dma_wait3A_221 = tpu.memref_slice %arg10[%dma_wait3A_214, %dma_wait3A_220] : memref<16x640xf32, #tpu.memory_space<vmem>> -> memref<1x640xf32, #tpu.memory_space<vmem>>
    %dma_wait3A_222 = tpu.memref_squeeze %dma_wait3A_221 : memref<1x640xf32, #tpu.memory_space<vmem>> -> memref<640xf32, #tpu.memory_space<vmem>>
    %dma_wait3A_223 = tpu.memref_slice %arg11[%dma_wait3A_213, %mul3A_20] : memref<16x10240xf32, #tpu.memory_space<vmem_shared>> -> memref<1x640xf32, #tpu.memory_space<vmem_shared>>
    %dma_wait3A_224 = tpu.memref_squeeze %dma_wait3A_223 : memref<1x640xf32, #tpu.memory_space<vmem_shared>> -> memref<640xf32, #tpu.memory_space<vmem_shared>>
    tpu.wait_dma2 semaphore(%arg12 : memref<!tpu.dma_semaphore, #tpu.memory_space<semaphore_mem>>) src(%dma_wait3A_224 : memref<640xf32, #tpu.memory_space<vmem_shared>>) dst(%dma_wait3A_222 : memref<640xf32, #tpu.memory_space<vmem>>)
    %dma_wait3A_225 = arith.constant 1 : i32
    %dma_wait3A_226 = arith.constant 1 : i32
    %dma_wait3A_227 = arith.constant 0 : i32
    %dma_wait3A_228 = tpu.memref_slice %arg10[%dma_wait3A_226, %dma_wait3A_227] : memref<16x640xf32, #tpu.memory_space<vmem>> -> memref<1x640xf32, #tpu.memory_space<vmem>>
    %dma_wait3A_229 = tpu.memref_squeeze %dma_wait3A_228 : memref<1x640xf32, #tpu.memory_space<vmem>> -> memref<640xf32, #tpu.memory_space<vmem>>
    %dma_wait3A_230 = tpu.memref_slice %arg11[%dma_wait3A_225, %mul3A_20] : memref<16x10240xf32, #tpu.memory_space<vmem_shared>> -> memref<1x640xf32, #tpu.memory_space<vmem_shared>>
    %dma_wait3A_231 = tpu.memref_squeeze %dma_wait3A_230 : memref<1x640xf32, #tpu.memory_space<vmem_shared>> -> memref<640xf32, #tpu.memory_space<vmem_shared>>
    %dma_wait3A_232 = arith.constant 0 : i32
    %dma_wait3A_233 = tpu.memref_slice %arg10[%dma_wait3A_226, %dma_wait3A_232] : memref<16x640xf32, #tpu.memory_space<vmem>> -> memref<1x640xf32, #tpu.memory_space<vmem>>
    %dma_wait3A_234 = tpu.memref_squeeze %dma_wait3A_233 : memref<1x640xf32, #tpu.memory_space<vmem>> -> memref<640xf32, #tpu.memory_space<vmem>>
    %dma_wait3A_235 = tpu.memref_slice %arg11[%dma_wait3A_225, %mul3A_20] : memref<16x10240xf32, #tpu.memory_space<vmem_shared>> -> memref<1x640xf32, #tpu.memory_space<vmem_shared>>
    %dma_wait3A_236 = tpu.memref_squeeze %dma_wait3A_235 : memref<1x640xf32, #tpu.memory_space<vmem_shared>> -> memref<640xf32, #tpu.memory_space<vmem_shared>>
    tpu.wait_dma2 semaphore(%arg12 : memref<!tpu.dma_semaphore, #tpu.memory_space<semaphore_mem>>) src(%dma_wait3A_236 : memref<640xf32, #tpu.memory_space<vmem_shared>>) dst(%dma_wait3A_234 : memref<640xf32, #tpu.memory_space<vmem>>)
    %dma_wait3A_237 = arith.constant 2 : i32
    %dma_wait3A_238 = arith.constant 2 : i32
    %dma_wait3A_239 = arith.constant 0 : i32
    %dma_wait3A_240 = tpu.memref_slice %arg10[%dma_wait3A_238, %dma_wait3A_239] : memref<16x640xf32, #tpu.memory_space<vmem>> -> memref<1x640xf32, #tpu.memory_space<vmem>>
    %dma_wait3A_241 = tpu.memref_squeeze %dma_wait3A_240 : memref<1x640xf32, #tpu.memory_space<vmem>> -> memref<640xf32, #tpu.memory_space<vmem>>
    %dma_wait3A_242 = tpu.memref_slice %arg11[%dma_wait3A_237, %mul3A_20] : memref<16x10240xf32, #tpu.memory_space<vmem_shared>> -> memref<1x640xf32, #tpu.memory_space<vmem_shared>>
    %dma_wait3A_243 = tpu.memref_squeeze %dma_wait3A_242 : memref<1x640xf32, #tpu.memory_space<vmem_shared>> -> memref<640xf32, #tpu.memory_space<vmem_shared>>
    %dma_wait3A_244 = arith.constant 0 : i32
    %dma_wait3A_245 = tpu.memref_slice %arg10[%dma_wait3A_238, %dma_wait3A_244] : memref<16x640xf32, #tpu.memory_space<vmem>> -> memref<1x640xf32, #tpu.memory_space<vmem>>
    %dma_wait3A_246 = tpu.memref_squeeze %dma_wait3A_245 : memref<1x640xf32, #tpu.memory_space<vmem>> -> memref<640xf32, #tpu.memory_space<vmem>>
    %dma_wait3A_247 = tpu.memref_slice %arg11[%dma_wait3A_237, %mul3A_20] : memref<16x10240xf32, #tpu.memory_space<vmem_shared>> -> memref<1x640xf32, #tpu.memory_space<vmem_shared>>
    %dma_wait3A_248 = tpu.memref_squeeze %dma_wait3A_247 : memref<1x640xf32, #tpu.memory_space<vmem_shared>> -> memref<640xf32, #tpu.memory_space<vmem_shared>>
    tpu.wait_dma2 semaphore(%arg12 : memref<!tpu.dma_semaphore, #tpu.memory_space<semaphore_mem>>) src(%dma_wait3A_248 : memref<640xf32, #tpu.memory_space<vmem_shared>>) dst(%dma_wait3A_246 : memref<640xf32, #tpu.memory_space<vmem>>)
    %dma_wait3A_249 = arith.constant 3 : i32
    %dma_wait3A_250 = arith.constant 3 : i32
    %dma_wait3A_251 = arith.constant 0 : i32
    %dma_wait3A_252 = tpu.memref_slice %arg10[%dma_wait3A_250, %dma_wait3A_251] : memref<16x640xf32, #tpu.memory_space<vmem>> -> memref<1x640xf32, #tpu.memory_space<vmem>>
    %dma_wait3A_253 = tpu.memref_squeeze %dma_wait3A_252 : memref<1x640xf32, #tpu.memory_space<vmem>> -> memref<640xf32, #tpu.memory_space<vmem>>
    %dma_wait3A_254 = tpu.memref_slice %arg11[%dma_wait3A_249, %mul3A_20] : memref<16x10240xf32, #tpu.memory_space<vmem_shared>> -> memref<1x640xf32, #tpu.memory_space<vmem_shared>>
    %dma_wait3A_255 = tpu.memref_squeeze %dma_wait3A_254 : memref<1x640xf32, #tpu.memory_space<vmem_shared>> -> memref<640xf32, #tpu.memory_space<vmem_shared>>
    %dma_wait3A_256 = arith.constant 0 : i32
    %dma_wait3A_257 = tpu.memref_slice %arg10[%dma_wait3A_250, %dma_wait3A_256] : memref<16x640xf32, #tpu.memory_space<vmem>> -> memref<1x640xf32, #tpu.memory_space<vmem>>
    %dma_wait3A_258 = tpu.memref_squeeze %dma_wait3A_257 : memref<1x640xf32, #tpu.memory_space<vmem>> -> memref<640xf32, #tpu.memory_space<vmem>>
    %dma_wait3A_259 = tpu.memref_slice %arg11[%dma_wait3A_249, %mul3A_20] : memref<16x10240xf32, #tpu.memory_space<vmem_shared>> -> memref<1x640xf32, #tpu.memory_space<vmem_shared>>
    %dma_wait3A_260 = tpu.memref_squeeze %dma_wait3A_259 : memref<1x640xf32, #tpu.memory_space<vmem_shared>> -> memref<640xf32, #tpu.memory_space<vmem_shared>>
    tpu.wait_dma2 semaphore(%arg12 : memref<!tpu.dma_semaphore, #tpu.memory_space<semaphore_mem>>) src(%dma_wait3A_260 : memref<640xf32, #tpu.memory_space<vmem_shared>>) dst(%dma_wait3A_258 : memref<640xf32, #tpu.memory_space<vmem>>)
    %dma_wait3A_261 = arith.constant 4 : i32
    %dma_wait3A_262 = arith.constant 4 : i32
    %dma_wait3A_263 = arith.constant 0 : i32
    %dma_wait3A_264 = tpu.memref_slice %arg10[%dma_wait3A_262, %dma_wait3A_263] : memref<16x640xf32, #tpu.memory_space<vmem>> -> memref<1x640xf32, #tpu.memory_space<vmem>>
    %dma_wait3A_265 = tpu.memref_squeeze %dma_wait3A_264 : memref<1x640xf32, #tpu.memory_space<vmem>> -> memref<640xf32, #tpu.memory_space<vmem>>
    %dma_wait3A_266 = tpu.memref_slice %arg11[%dma_wait3A_261, %mul3A_20] : memref<16x10240xf32, #tpu.memory_space<vmem_shared>> -> memref<1x640xf32, #tpu.memory_space<vmem_shared>>
    %dma_wait3A_267 = tpu.memref_squeeze %dma_wait3A_266 : memref<1x640xf32, #tpu.memory_space<vmem_shared>> -> memref<640xf32, #tpu.memory_space<vmem_shared>>
    %dma_wait3A_268 = arith.constant 0 : i32
    %dma_wait3A_269 = tpu.memref_slice %arg10[%dma_wait3A_262, %dma_wait3A_268] : memref<16x640xf32, #tpu.memory_space<vmem>> -> memref<1x640xf32, #tpu.memory_space<vmem>>
    %dma_wait3A_270 = tpu.memref_squeeze %dma_wait3A_269 : memref<1x640xf32, #tpu.memory_space<vmem>> -> memref<640xf32, #tpu.memory_space<vmem>>
    %dma_wait3A_271 = tpu.memref_slice %arg11[%dma_wait3A_261, %mul3A_20] : memref<16x10240xf32, #tpu.memory_space<vmem_shared>> -> memref<1x640xf32, #tpu.memory_space<vmem_shared>>
    %dma_wait3A_272 = tpu.memref_squeeze %dma_wait3A_271 : memref<1x640xf32, #tpu.memory_space<vmem_shared>> -> memref<640xf32, #tpu.memory_space<vmem_shared>>
    tpu.wait_dma2 semaphore(%arg12 : memref<!tpu.dma_semaphore, #tpu.memory_space<semaphore_mem>>) src(%dma_wait3A_272 : memref<640xf32, #tpu.memory_space<vmem_shared>>) dst(%dma_wait3A_270 : memref<640xf32, #tpu.memory_space<vmem>>)
    %dma_wait3A_273 = arith.constant 5 : i32
    %dma_wait3A_274 = arith.constant 5 : i32
    %dma_wait3A_275 = arith.constant 0 : i32
    %dma_wait3A_276 = tpu.memref_slice %arg10[%dma_wait3A_274, %dma_wait3A_275] : memref<16x640xf32, #tpu.memory_space<vmem>> -> memref<1x640xf32, #tpu.memory_space<vmem>>
    %dma_wait3A_277 = tpu.memref_squeeze %dma_wait3A_276 : memref<1x640xf32, #tpu.memory_space<vmem>> -> memref<640xf32, #tpu.memory_space<vmem>>
    %dma_wait3A_278 = tpu.memref_slice %arg11[%dma_wait3A_273, %mul3A_20] : memref<16x10240xf32, #tpu.memory_space<vmem_shared>> -> memref<1x640xf32, #tpu.memory_space<vmem_shared>>
    %dma_wait3A_279 = tpu.memref_squeeze %dma_wait3A_278 : memref<1x640xf32, #tpu.memory_space<vmem_shared>> -> memref<640xf32, #tpu.memory_space<vmem_shared>>
    %dma_wait3A_280 = arith.constant 0 : i32
    %dma_wait3A_281 = tpu.memref_slice %arg10[%dma_wait3A_274, %dma_wait3A_280] : memref<16x640xf32, #tpu.memory_space<vmem>> -> memref<1x640xf32, #tpu.memory_space<vmem>>
    %dma_wait3A_282 = tpu.memref_squeeze %dma_wait3A_281 : memref<1x640xf32, #tpu.memory_space<vmem>> -> memref<640xf32, #tpu.memory_space<vmem>>
    %dma_wait3A_283 = tpu.memref_slice %arg11[%dma_wait3A_273, %mul3A_20] : memref<16x10240xf32, #tpu.memory_space<vmem_shared>> -> memref<1x640xf32, #tpu.memory_space<vmem_shared>>
    %dma_wait3A_284 = tpu.memref_squeeze %dma_wait3A_283 : memref<1x640xf32, #tpu.memory_space<vmem_shared>> -> memref<640xf32, #tpu.memory_space<vmem_shared>>
    tpu.wait_dma2 semaphore(%arg12 : memref<!tpu.dma_semaphore, #tpu.memory_space<semaphore_mem>>) src(%dma_wait3A_284 : memref<640xf32, #tpu.memory_space<vmem_shared>>) dst(%dma_wait3A_282 : memref<640xf32, #tpu.memory_space<vmem>>)
    %dma_wait3A_285 = arith.constant 6 : i32
    %dma_wait3A_286 = arith.constant 6 : i32
    %dma_wait3A_287 = arith.constant 0 : i32
    %dma_wait3A_288 = tpu.memref_slice %arg10[%dma_wait3A_286, %dma_wait3A_287] : memref<16x640xf32, #tpu.memory_space<vmem>> -> memref<1x640xf32, #tpu.memory_space<vmem>>
    %dma_wait3A_289 = tpu.memref_squeeze %dma_wait3A_288 : memref<1x640xf32, #tpu.memory_space<vmem>> -> memref<640xf32, #tpu.memory_space<vmem>>
    %dma_wait3A_290 = tpu.memref_slice %arg11[%dma_wait3A_285, %mul3A_20] : memref<16x10240xf32, #tpu.memory_space<vmem_shared>> -> memref<1x640xf32, #tpu.memory_space<vmem_shared>>
    %dma_wait3A_291 = tpu.memref_squeeze %dma_wait3A_290 : memref<1x640xf32, #tpu.memory_space<vmem_shared>> -> memref<640xf32, #tpu.memory_space<vmem_shared>>
    %dma_wait3A_292 = arith.constant 0 : i32
    %dma_wait3A_293 = tpu.memref_slice %arg10[%dma_wait3A_286, %dma_wait3A_292] : memref<16x640xf32, #tpu.memory_space<vmem>> -> memref<1x640xf32, #tpu.memory_space<vmem>>
    %dma_wait3A_294 = tpu.memref_squeeze %dma_wait3A_293 : memref<1x640xf32, #tpu.memory_space<vmem>> -> memref<640xf32, #tpu.memory_space<vmem>>
    %dma_wait3A_295 = tpu.memref_slice %arg11[%dma_wait3A_285, %mul3A_20] : memref<16x10240xf32, #tpu.memory_space<vmem_shared>> -> memref<1x640xf32, #tpu.memory_space<vmem_shared>>
    %dma_wait3A_296 = tpu.memref_squeeze %dma_wait3A_295 : memref<1x640xf32, #tpu.memory_space<vmem_shared>> -> memref<640xf32, #tpu.memory_space<vmem_shared>>
    tpu.wait_dma2 semaphore(%arg12 : memref<!tpu.dma_semaphore, #tpu.memory_space<semaphore_mem>>) src(%dma_wait3A_296 : memref<640xf32, #tpu.memory_space<vmem_shared>>) dst(%dma_wait3A_294 : memref<640xf32, #tpu.memory_space<vmem>>)
    %dma_wait3A_297 = arith.constant 7 : i32
    %dma_wait3A_298 = arith.constant 7 : i32
    %dma_wait3A_299 = arith.constant 0 : i32
    %dma_wait3A_300 = tpu.memref_slice %arg10[%dma_wait3A_298, %dma_wait3A_299] : memref<16x640xf32, #tpu.memory_space<vmem>> -> memref<1x640xf32, #tpu.memory_space<vmem>>
    %dma_wait3A_301 = tpu.memref_squeeze %dma_wait3A_300 : memref<1x640xf32, #tpu.memory_space<vmem>> -> memref<640xf32, #tpu.memory_space<vmem>>
    %dma_wait3A_302 = tpu.memref_slice %arg11[%dma_wait3A_297, %mul3A_20] : memref<16x10240xf32, #tpu.memory_space<vmem_shared>> -> memref<1x640xf32, #tpu.memory_space<vmem_shared>>
    %dma_wait3A_303 = tpu.memref_squeeze %dma_wait3A_302 : memref<1x640xf32, #tpu.memory_space<vmem_shared>> -> memref<640xf32, #tpu.memory_space<vmem_shared>>
    %dma_wait3A_304 = arith.constant 0 : i32
    %dma_wait3A_305 = tpu.memref_slice %arg10[%dma_wait3A_298, %dma_wait3A_304] : memref<16x640xf32, #tpu.memory_space<vmem>> -> memref<1x640xf32, #tpu.memory_space<vmem>>
    %dma_wait3A_306 = tpu.memref_squeeze %dma_wait3A_305 : memref<1x640xf32, #tpu.memory_space<vmem>> -> memref<640xf32, #tpu.memory_space<vmem>>
    %dma_wait3A_307 = tpu.memref_slice %arg11[%dma_wait3A_297, %mul3A_20] : memref<16x10240xf32, #tpu.memory_space<vmem_shared>> -> memref<1x640xf32, #tpu.memory_space<vmem_shared>>
    %dma_wait3A_308 = tpu.memref_squeeze %dma_wait3A_307 : memref<1x640xf32, #tpu.memory_space<vmem_shared>> -> memref<640xf32, #tpu.memory_space<vmem_shared>>
    tpu.wait_dma2 semaphore(%arg12 : memref<!tpu.dma_semaphore, #tpu.memory_space<semaphore_mem>>) src(%dma_wait3A_308 : memref<640xf32, #tpu.memory_space<vmem_shared>>) dst(%dma_wait3A_306 : memref<640xf32, #tpu.memory_space<vmem>>)
    %dma_wait3A_309 = arith.constant 8 : i32
    %dma_wait3A_310 = arith.constant 8 : i32
    %dma_wait3A_311 = arith.constant 0 : i32
    %dma_wait3A_312 = tpu.memref_slice %arg10[%dma_wait3A_310, %dma_wait3A_311] : memref<16x640xf32, #tpu.memory_space<vmem>> -> memref<1x640xf32, #tpu.memory_space<vmem>>
    %dma_wait3A_313 = tpu.memref_squeeze %dma_wait3A_312 : memref<1x640xf32, #tpu.memory_space<vmem>> -> memref<640xf32, #tpu.memory_space<vmem>>
    %dma_wait3A_314 = tpu.memref_slice %arg11[%dma_wait3A_309, %mul3A_20] : memref<16x10240xf32, #tpu.memory_space<vmem_shared>> -> memref<1x640xf32, #tpu.memory_space<vmem_shared>>
    %dma_wait3A_315 = tpu.memref_squeeze %dma_wait3A_314 : memref<1x640xf32, #tpu.memory_space<vmem_shared>> -> memref<640xf32, #tpu.memory_space<vmem_shared>>
    %dma_wait3A_316 = arith.constant 0 : i32
    %dma_wait3A_317 = tpu.memref_slice %arg10[%dma_wait3A_310, %dma_wait3A_316] : memref<16x640xf32, #tpu.memory_space<vmem>> -> memref<1x640xf32, #tpu.memory_space<vmem>>
    %dma_wait3A_318 = tpu.memref_squeeze %dma_wait3A_317 : memref<1x640xf32, #tpu.memory_space<vmem>> -> memref<640xf32, #tpu.memory_space<vmem>>
    %dma_wait3A_319 = tpu.memref_slice %arg11[%dma_wait3A_309, %mul3A_20] : memref<16x10240xf32, #tpu.memory_space<vmem_shared>> -> memref<1x640xf32, #tpu.memory_space<vmem_shared>>
    %dma_wait3A_320 = tpu.memref_squeeze %dma_wait3A_319 : memref<1x640xf32, #tpu.memory_space<vmem_shared>> -> memref<640xf32, #tpu.memory_space<vmem_shared>>
    tpu.wait_dma2 semaphore(%arg12 : memref<!tpu.dma_semaphore, #tpu.memory_space<semaphore_mem>>) src(%dma_wait3A_320 : memref<640xf32, #tpu.memory_space<vmem_shared>>) dst(%dma_wait3A_318 : memref<640xf32, #tpu.memory_space<vmem>>)
    %dma_wait3A_321 = arith.constant 9 : i32
    %dma_wait3A_322 = arith.constant 9 : i32
    %dma_wait3A_323 = arith.constant 0 : i32
    %dma_wait3A_324 = tpu.memref_slice %arg10[%dma_wait3A_322, %dma_wait3A_323] : memref<16x640xf32, #tpu.memory_space<vmem>> -> memref<1x640xf32, #tpu.memory_space<vmem>>
    %dma_wait3A_325 = tpu.memref_squeeze %dma_wait3A_324 : memref<1x640xf32, #tpu.memory_space<vmem>> -> memref<640xf32, #tpu.memory_space<vmem>>
    %dma_wait3A_326 = tpu.memref_slice %arg11[%dma_wait3A_321, %mul3A_20] : memref<16x10240xf32, #tpu.memory_space<vmem_shared>> -> memref<1x640xf32, #tpu.memory_space<vmem_shared>>
    %dma_wait3A_327 = tpu.memref_squeeze %dma_wait3A_326 : memref<1x640xf32, #tpu.memory_space<vmem_shared>> -> memref<640xf32, #tpu.memory_space<vmem_shared>>
    %dma_wait3A_328 = arith.constant 0 : i32
    %dma_wait3A_329 = tpu.memref_slice %arg10[%dma_wait3A_322, %dma_wait3A_328] : memref<16x640xf32, #tpu.memory_space<vmem>> -> memref<1x640xf32, #tpu.memory_space<vmem>>
    %dma_wait3A_330 = tpu.memref_squeeze %dma_wait3A_329 : memref<1x640xf32, #tpu.memory_space<vmem>> -> memref<640xf32, #tpu.memory_space<vmem>>
    %dma_wait3A_331 = tpu.memref_slice %arg11[%dma_wait3A_321, %mul3A_20] : memref<16x10240xf32, #tpu.memory_space<vmem_shared>> -> memref<1x640xf32, #tpu.memory_space<vmem_shared>>
    %dma_wait3A_332 = tpu.memref_squeeze %dma_wait3A_331 : memref<1x640xf32, #tpu.memory_space<vmem_shared>> -> memref<640xf32, #tpu.memory_space<vmem_shared>>
    tpu.wait_dma2 semaphore(%arg12 : memref<!tpu.dma_semaphore, #tpu.memory_space<semaphore_mem>>) src(%dma_wait3A_332 : memref<640xf32, #tpu.memory_space<vmem_shared>>) dst(%dma_wait3A_330 : memref<640xf32, #tpu.memory_space<vmem>>)
    %dma_wait3A_333 = arith.constant 10 : i32
    %dma_wait3A_334 = arith.constant 10 : i32
    %dma_wait3A_335 = arith.constant 0 : i32
    %dma_wait3A_336 = tpu.memref_slice %arg10[%dma_wait3A_334, %dma_wait3A_335] : memref<16x640xf32, #tpu.memory_space<vmem>> -> memref<1x640xf32, #tpu.memory_space<vmem>>
    %dma_wait3A_337 = tpu.memref_squeeze %dma_wait3A_336 : memref<1x640xf32, #tpu.memory_space<vmem>> -> memref<640xf32, #tpu.memory_space<vmem>>
    %dma_wait3A_338 = tpu.memref_slice %arg11[%dma_wait3A_333, %mul3A_20] : memref<16x10240xf32, #tpu.memory_space<vmem_shared>> -> memref<1x640xf32, #tpu.memory_space<vmem_shared>>
    %dma_wait3A_339 = tpu.memref_squeeze %dma_wait3A_338 : memref<1x640xf32, #tpu.memory_space<vmem_shared>> -> memref<640xf32, #tpu.memory_space<vmem_shared>>
    %dma_wait3A_340 = arith.constant 0 : i32
    %dma_wait3A_341 = tpu.memref_slice %arg10[%dma_wait3A_334, %dma_wait3A_340] : memref<16x640xf32, #tpu.memory_space<vmem>> -> memref<1x640xf32, #tpu.memory_space<vmem>>
    %dma_wait3A_342 = tpu.memref_squeeze %dma_wait3A_341 : memref<1x640xf32, #tpu.memory_space<vmem>> -> memref<640xf32, #tpu.memory_space<vmem>>
    %dma_wait3A_343 = tpu.memref_slice %arg11[%dma_wait3A_333, %mul3A_20] : memref<16x10240xf32, #tpu.memory_space<vmem_shared>> -> memref<1x640xf32, #tpu.memory_space<vmem_shared>>
    %dma_wait3A_344 = tpu.memref_squeeze %dma_wait3A_343 : memref<1x640xf32, #tpu.memory_space<vmem_shared>> -> memref<640xf32, #tpu.memory_space<vmem_shared>>
    tpu.wait_dma2 semaphore(%arg12 : memref<!tpu.dma_semaphore, #tpu.memory_space<semaphore_mem>>) src(%dma_wait3A_344 : memref<640xf32, #tpu.memory_space<vmem_shared>>) dst(%dma_wait3A_342 : memref<640xf32, #tpu.memory_space<vmem>>)
    %dma_wait3A_345 = arith.constant 11 : i32
    %dma_wait3A_346 = arith.constant 11 : i32
    %dma_wait3A_347 = arith.constant 0 : i32
    %dma_wait3A_348 = tpu.memref_slice %arg10[%dma_wait3A_346, %dma_wait3A_347] : memref<16x640xf32, #tpu.memory_space<vmem>> -> memref<1x640xf32, #tpu.memory_space<vmem>>
    %dma_wait3A_349 = tpu.memref_squeeze %dma_wait3A_348 : memref<1x640xf32, #tpu.memory_space<vmem>> -> memref<640xf32, #tpu.memory_space<vmem>>
    %dma_wait3A_350 = tpu.memref_slice %arg11[%dma_wait3A_345, %mul3A_20] : memref<16x10240xf32, #tpu.memory_space<vmem_shared>> -> memref<1x640xf32, #tpu.memory_space<vmem_shared>>
    %dma_wait3A_351 = tpu.memref_squeeze %dma_wait3A_350 : memref<1x640xf32, #tpu.memory_space<vmem_shared>> -> memref<640xf32, #tpu.memory_space<vmem_shared>>
    %dma_wait3A_352 = arith.constant 0 : i32
    %dma_wait3A_353 = tpu.memref_slice %arg10[%dma_wait3A_346, %dma_wait3A_352] : memref<16x640xf32, #tpu.memory_space<vmem>> -> memref<1x640xf32, #tpu.memory_space<vmem>>
    %dma_wait3A_354 = tpu.memref_squeeze %dma_wait3A_353 : memref<1x640xf32, #tpu.memory_space<vmem>> -> memref<640xf32, #tpu.memory_space<vmem>>
    %dma_wait3A_355 = tpu.memref_slice %arg11[%dma_wait3A_345, %mul3A_20] : memref<16x10240xf32, #tpu.memory_space<vmem_shared>> -> memref<1x640xf32, #tpu.memory_space<vmem_shared>>
    %dma_wait3A_356 = tpu.memref_squeeze %dma_wait3A_355 : memref<1x640xf32, #tpu.memory_space<vmem_shared>> -> memref<640xf32, #tpu.memory_space<vmem_shared>>
    tpu.wait_dma2 semaphore(%arg12 : memref<!tpu.dma_semaphore, #tpu.memory_space<semaphore_mem>>) src(%dma_wait3A_356 : memref<640xf32, #tpu.memory_space<vmem_shared>>) dst(%dma_wait3A_354 : memref<640xf32, #tpu.memory_space<vmem>>)
    %dma_wait3A_357 = arith.constant 12 : i32
    %dma_wait3A_358 = arith.constant 12 : i32
    %dma_wait3A_359 = arith.constant 0 : i32
    %dma_wait3A_360 = tpu.memref_slice %arg10[%dma_wait3A_358, %dma_wait3A_359] : memref<16x640xf32, #tpu.memory_space<vmem>> -> memref<1x640xf32, #tpu.memory_space<vmem>>
    %dma_wait3A_361 = tpu.memref_squeeze %dma_wait3A_360 : memref<1x640xf32, #tpu.memory_space<vmem>> -> memref<640xf32, #tpu.memory_space<vmem>>
    %dma_wait3A_362 = tpu.memref_slice %arg11[%dma_wait3A_357, %mul3A_20] : memref<16x10240xf32, #tpu.memory_space<vmem_shared>> -> memref<1x640xf32, #tpu.memory_space<vmem_shared>>
    %dma_wait3A_363 = tpu.memref_squeeze %dma_wait3A_362 : memref<1x640xf32, #tpu.memory_space<vmem_shared>> -> memref<640xf32, #tpu.memory_space<vmem_shared>>
    %dma_wait3A_364 = arith.constant 0 : i32
    %dma_wait3A_365 = tpu.memref_slice %arg10[%dma_wait3A_358, %dma_wait3A_364] : memref<16x640xf32, #tpu.memory_space<vmem>> -> memref<1x640xf32, #tpu.memory_space<vmem>>
    %dma_wait3A_366 = tpu.memref_squeeze %dma_wait3A_365 : memref<1x640xf32, #tpu.memory_space<vmem>> -> memref<640xf32, #tpu.memory_space<vmem>>
    %dma_wait3A_367 = tpu.memref_slice %arg11[%dma_wait3A_357, %mul3A_20] : memref<16x10240xf32, #tpu.memory_space<vmem_shared>> -> memref<1x640xf32, #tpu.memory_space<vmem_shared>>
    %dma_wait3A_368 = tpu.memref_squeeze %dma_wait3A_367 : memref<1x640xf32, #tpu.memory_space<vmem_shared>> -> memref<640xf32, #tpu.memory_space<vmem_shared>>
    tpu.wait_dma2 semaphore(%arg12 : memref<!tpu.dma_semaphore, #tpu.memory_space<semaphore_mem>>) src(%dma_wait3A_368 : memref<640xf32, #tpu.memory_space<vmem_shared>>) dst(%dma_wait3A_366 : memref<640xf32, #tpu.memory_space<vmem>>)
    %dma_wait3A_369 = arith.constant 13 : i32
    %dma_wait3A_370 = arith.constant 13 : i32
    %dma_wait3A_371 = arith.constant 0 : i32
    %dma_wait3A_372 = tpu.memref_slice %arg10[%dma_wait3A_370, %dma_wait3A_371] : memref<16x640xf32, #tpu.memory_space<vmem>> -> memref<1x640xf32, #tpu.memory_space<vmem>>
    %dma_wait3A_373 = tpu.memref_squeeze %dma_wait3A_372 : memref<1x640xf32, #tpu.memory_space<vmem>> -> memref<640xf32, #tpu.memory_space<vmem>>
    %dma_wait3A_374 = tpu.memref_slice %arg11[%dma_wait3A_369, %mul3A_20] : memref<16x10240xf32, #tpu.memory_space<vmem_shared>> -> memref<1x640xf32, #tpu.memory_space<vmem_shared>>
    %dma_wait3A_375 = tpu.memref_squeeze %dma_wait3A_374 : memref<1x640xf32, #tpu.memory_space<vmem_shared>> -> memref<640xf32, #tpu.memory_space<vmem_shared>>
    %dma_wait3A_376 = arith.constant 0 : i32
    %dma_wait3A_377 = tpu.memref_slice %arg10[%dma_wait3A_370, %dma_wait3A_376] : memref<16x640xf32, #tpu.memory_space<vmem>> -> memref<1x640xf32, #tpu.memory_space<vmem>>
    %dma_wait3A_378 = tpu.memref_squeeze %dma_wait3A_377 : memref<1x640xf32, #tpu.memory_space<vmem>> -> memref<640xf32, #tpu.memory_space<vmem>>
    %dma_wait3A_379 = tpu.memref_slice %arg11[%dma_wait3A_369, %mul3A_20] : memref<16x10240xf32, #tpu.memory_space<vmem_shared>> -> memref<1x640xf32, #tpu.memory_space<vmem_shared>>
    %dma_wait3A_380 = tpu.memref_squeeze %dma_wait3A_379 : memref<1x640xf32, #tpu.memory_space<vmem_shared>> -> memref<640xf32, #tpu.memory_space<vmem_shared>>
    tpu.wait_dma2 semaphore(%arg12 : memref<!tpu.dma_semaphore, #tpu.memory_space<semaphore_mem>>) src(%dma_wait3A_380 : memref<640xf32, #tpu.memory_space<vmem_shared>>) dst(%dma_wait3A_378 : memref<640xf32, #tpu.memory_space<vmem>>)
    %dma_wait3A_381 = arith.constant 14 : i32
    %dma_wait3A_382 = arith.constant 14 : i32
    %dma_wait3A_383 = arith.constant 0 : i32
    %dma_wait3A_384 = tpu.memref_slice %arg10[%dma_wait3A_382, %dma_wait3A_383] : memref<16x640xf32, #tpu.memory_space<vmem>> -> memref<1x640xf32, #tpu.memory_space<vmem>>
    %dma_wait3A_385 = tpu.memref_squeeze %dma_wait3A_384 : memref<1x640xf32, #tpu.memory_space<vmem>> -> memref<640xf32, #tpu.memory_space<vmem>>
    %dma_wait3A_386 = tpu.memref_slice %arg11[%dma_wait3A_381, %mul3A_20] : memref<16x10240xf32, #tpu.memory_space<vmem_shared>> -> memref<1x640xf32, #tpu.memory_space<vmem_shared>>
    %dma_wait3A_387 = tpu.memref_squeeze %dma_wait3A_386 : memref<1x640xf32, #tpu.memory_space<vmem_shared>> -> memref<640xf32, #tpu.memory_space<vmem_shared>>
    %dma_wait3A_388 = arith.constant 0 : i32
    %dma_wait3A_389 = tpu.memref_slice %arg10[%dma_wait3A_382, %dma_wait3A_388] : memref<16x640xf32, #tpu.memory_space<vmem>> -> memref<1x640xf32, #tpu.memory_space<vmem>>
    %dma_wait3A_390 = tpu.memref_squeeze %dma_wait3A_389 : memref<1x640xf32, #tpu.memory_space<vmem>> -> memref<640xf32, #tpu.memory_space<vmem>>
    %dma_wait3A_391 = tpu.memref_slice %arg11[%dma_wait3A_381, %mul3A_20] : memref<16x10240xf32, #tpu.memory_space<vmem_shared>> -> memref<1x640xf32, #tpu.memory_space<vmem_shared>>
    %dma_wait3A_392 = tpu.memref_squeeze %dma_wait3A_391 : memref<1x640xf32, #tpu.memory_space<vmem_shared>> -> memref<640xf32, #tpu.memory_space<vmem_shared>>
    tpu.wait_dma2 semaphore(%arg12 : memref<!tpu.dma_semaphore, #tpu.memory_space<semaphore_mem>>) src(%dma_wait3A_392 : memref<640xf32, #tpu.memory_space<vmem_shared>>) dst(%dma_wait3A_390 : memref<640xf32, #tpu.memory_space<vmem>>)
    %dma_wait3A_393 = arith.constant 15 : i32
    %dma_wait3A_394 = arith.constant 15 : i32
    %dma_wait3A_395 = arith.constant 0 : i32
    %dma_wait3A_396 = tpu.memref_slice %arg10[%dma_wait3A_394, %dma_wait3A_395] : memref<16x640xf32, #tpu.memory_space<vmem>> -> memref<1x640xf32, #tpu.memory_space<vmem>>
    %dma_wait3A_397 = tpu.memref_squeeze %dma_wait3A_396 : memref<1x640xf32, #tpu.memory_space<vmem>> -> memref<640xf32, #tpu.memory_space<vmem>>
    %dma_wait3A_398 = tpu.memref_slice %arg11[%dma_wait3A_393, %mul3A_20] : memref<16x10240xf32, #tpu.memory_space<vmem_shared>> -> memref<1x640xf32, #tpu.memory_space<vmem_shared>>
    %dma_wait3A_399 = tpu.memref_squeeze %dma_wait3A_398 : memref<1x640xf32, #tpu.memory_space<vmem_shared>> -> memref<640xf32, #tpu.memory_space<vmem_shared>>
    %dma_wait3A_400 = arith.constant 0 : i32
    %dma_wait3A_401 = tpu.memref_slice %arg10[%dma_wait3A_394, %dma_wait3A_400] : memref<16x640xf32, #tpu.memory_space<vmem>> -> memref<1x640xf32, #tpu.memory_space<vmem>>
    %dma_wait3A_402 = tpu.memref_squeeze %dma_wait3A_401 : memref<1x640xf32, #tpu.memory_space<vmem>> -> memref<640xf32, #tpu.memory_space<vmem>>
    %dma_wait3A_403 = tpu.memref_slice %arg11[%dma_wait3A_393, %mul3A_20] : memref<16x10240xf32, #tpu.memory_space<vmem_shared>> -> memref<1x640xf32, #tpu.memory_space<vmem_shared>>
    %dma_wait3A_404 = tpu.memref_squeeze %dma_wait3A_403 : memref<1x640xf32, #tpu.memory_space<vmem_shared>> -> memref<640xf32, #tpu.memory_space<vmem_shared>>
    tpu.wait_dma2 semaphore(%arg12 : memref<!tpu.dma_semaphore, #tpu.memory_space<semaphore_mem>>) src(%dma_wait3A_404 : memref<640xf32, #tpu.memory_space<vmem_shared>>) dst(%dma_wait3A_402 : memref<640xf32, #tpu.memory_space<vmem>>)
    %parallel_loop3A_405 = arith.constant 0 : i32
    %parallel_loop3A_406 = arith.constant 40 : i32
    %parallel_loop3A_407 = arith.constant 1 : i32
    scf.for %parallel_loop3A_411 = %parallel_loop3A_405 to %parallel_loop3A_406 step %parallel_loop3A_407  : i32 {
      %parallel_loop3A_412 = arith.constant 16 : i32
      %parallel_loop3A_413 = arith.muli %parallel_loop3A_411, %parallel_loop3A_412 : i32
      %parallel_loop3A_414 = arith.constant 0 : i32
      %parallel_loop3A_415 = arith.index_cast %parallel_loop3A_414 : i32 to index
      %parallel_loop3A_416 = arith.index_cast %parallel_loop3A_413 : i32 to index
      %parallel_loop3A_417 = tpu.vector_load %arg10[%parallel_loop3A_415, %parallel_loop3A_416] {strides = array<i32>} : memref<16x640xf32, #tpu.memory_space<vmem>>, vector<16xf32>,
      %parallel_loop3A_418 = arith.constant 1 : i32
      %parallel_loop3A_419 = arith.index_cast %parallel_loop3A_418 : i32 to index
      %parallel_loop3A_420 = arith.index_cast %parallel_loop3A_413 : i32 to index
      %parallel_loop3A_421 = tpu.vector_load %arg10[%parallel_loop3A_419, %parallel_loop3A_420] {strides = array<i32>} : memref<16x640xf32, #tpu.memory_space<vmem>>, vector<16xf32>,
      %parallel_loop3A_422 = arith.addf %parallel_loop3A_417, %parallel_loop3A_421 : vector<16xf32>
      %parallel_loop3A_423 = arith.constant 2 : i32
      %parallel_loop3A_424 = arith.index_cast %parallel_loop3A_423 : i32 to index
      %parallel_loop3A_425 = arith.index_cast %parallel_loop3A_413 : i32 to index
      %parallel_loop3A_426 = tpu.vector_load %arg10[%parallel_loop3A_424, %parallel_loop3A_425] {strides = array<i32>} : memref<16x640xf32, #tpu.memory_space<vmem>>, vector<16xf32>,
      %parallel_loop3A_427 = arith.addf %parallel_loop3A_422, %parallel_loop3A_426 : vector<16xf32>
      %parallel_loop3A_428 = arith.constant 3 : i32
      %parallel_loop3A_429 = arith.index_cast %parallel_loop3A_428 : i32 to index
      %parallel_loop3A_430 = arith.index_cast %parallel_loop3A_413 : i32 to index
      %parallel_loop3A_431 = tpu.vector_load %arg10[%parallel_loop3A_429, %parallel_loop3A_430] {strides = array<i32>} : memref<16x640xf32, #tpu.memory_space<vmem>>, vector<16xf32>,
      %parallel_loop3A_432 = arith.addf %parallel_loop3A_427, %parallel_loop3A_431 : vector<16xf32>
      %parallel_loop3A_433 = arith.constant 4 : i32
      %parallel_loop3A_434 = arith.index_cast %parallel_loop3A_433 : i32 to index
      %parallel_loop3A_435 = arith.index_cast %parallel_loop3A_413 : i32 to index
      %parallel_loop3A_436 = tpu.vector_load %arg10[%parallel_loop3A_434, %parallel_loop3A_435] {strides = array<i32>} : memref<16x640xf32, #tpu.memory_space<vmem>>, vector<16xf32>,
      %parallel_loop3A_437 = arith.addf %parallel_loop3A_432, %parallel_loop3A_436 : vector<16xf32>
      %parallel_loop3A_438 = arith.constant 5 : i32
      %parallel_loop3A_439 = arith.index_cast %parallel_loop3A_438 : i32 to index
      %parallel_loop3A_440 = arith.index_cast %parallel_loop3A_413 : i32 to index
      %parallel_loop3A_441 = tpu.vector_load %arg10[%parallel_loop3A_439, %parallel_loop3A_440] {strides = array<i32>} : memref<16x640xf32, #tpu.memory_space<vmem>>, vector<16xf32>,
      %parallel_loop3A_442 = arith.addf %parallel_loop3A_437, %parallel_loop3A_441 : vector<16xf32>
      %parallel_loop3A_443 = arith.constant 6 : i32
      %parallel_loop3A_444 = arith.index_cast %parallel_loop3A_443 : i32 to index
      %parallel_loop3A_445 = arith.index_cast %parallel_loop3A_413 : i32 to index
      %parallel_loop3A_446 = tpu.vector_load %arg10[%parallel_loop3A_444, %parallel_loop3A_445] {strides = array<i32>} : memref<16x640xf32, #tpu.memory_space<vmem>>, vector<16xf32>,
      %parallel_loop3A_447 = arith.addf %parallel_loop3A_442, %parallel_loop3A_446 : vector<16xf32>
      %parallel_loop3A_448 = arith.constant 7 : i32
      %parallel_loop3A_449 = arith.index_cast %parallel_loop3A_448 : i32 to index
      %parallel_loop3A_450 = arith.index_cast %parallel_loop3A_413 : i32 to index
      %parallel_loop3A_451 = tpu.vector_load %arg10[%parallel_loop3A_449, %parallel_loop3A_450] {strides = array<i32>} : memref<16x640xf32, #tpu.memory_space<vmem>>, vector<16xf32>,
      %parallel_loop3A_452 = arith.addf %parallel_loop3A_447, %parallel_loop3A_451 : vector<16xf32>
      %parallel_loop3A_453 = arith.constant 8 : i32
      %parallel_loop3A_454 = arith.index_cast %parallel_loop3A_453 : i32 to index
      %parallel_loop3A_455 = arith.index_cast %parallel_loop3A_413 : i32 to index
      %parallel_loop3A_456 = tpu.vector_load %arg10[%parallel_loop3A_454, %parallel_loop3A_455] {strides = array<i32>} : memref<16x640xf32, #tpu.memory_space<vmem>>, vector<16xf32>,
      %parallel_loop3A_457 = arith.addf %parallel_loop3A_452, %parallel_loop3A_456 : vector<16xf32>
      %parallel_loop3A_458 = arith.constant 9 : i32
      %parallel_loop3A_459 = arith.index_cast %parallel_loop3A_458 : i32 to index
      %parallel_loop3A_460 = arith.index_cast %parallel_loop3A_413 : i32 to index
      %parallel_loop3A_461 = tpu.vector_load %arg10[%parallel_loop3A_459, %parallel_loop3A_460] {strides = array<i32>} : memref<16x640xf32, #tpu.memory_space<vmem>>, vector<16xf32>,
      %parallel_loop3A_462 = arith.addf %parallel_loop3A_457, %parallel_loop3A_461 : vector<16xf32>
      %parallel_loop3A_463 = arith.constant 10 : i32
      %parallel_loop3A_464 = arith.index_cast %parallel_loop3A_463 : i32 to index
      %parallel_loop3A_465 = arith.index_cast %parallel_loop3A_413 : i32 to index
      %parallel_loop3A_466 = tpu.vector_load %arg10[%parallel_loop3A_464, %parallel_loop3A_465] {strides = array<i32>} : memref<16x640xf32, #tpu.memory_space<vmem>>, vector<16xf32>,
      %parallel_loop3A_467 = arith.addf %parallel_loop3A_462, %parallel_loop3A_466 : vector<16xf32>
      %parallel_loop3A_468 = arith.constant 11 : i32
      %parallel_loop3A_469 = arith.index_cast %parallel_loop3A_468 : i32 to index
      %parallel_loop3A_470 = arith.index_cast %parallel_loop3A_413 : i32 to index
      %parallel_loop3A_471 = tpu.vector_load %arg10[%parallel_loop3A_469, %parallel_loop3A_470] {strides = array<i32>} : memref<16x640xf32, #tpu.memory_space<vmem>>, vector<16xf32>,
      %parallel_loop3A_472 = arith.addf %parallel_loop3A_467, %parallel_loop3A_471 : vector<16xf32>
      %parallel_loop3A_473 = arith.constant 12 : i32
      %parallel_loop3A_474 = arith.index_cast %parallel_loop3A_473 : i32 to index
      %parallel_loop3A_475 = arith.index_cast %parallel_loop3A_413 : i32 to index
      %parallel_loop3A_476 = tpu.vector_load %arg10[%parallel_loop3A_474, %parallel_loop3A_475] {strides = array<i32>} : memref<16x640xf32, #tpu.memory_space<vmem>>, vector<16xf32>,
      %parallel_loop3A_477 = arith.addf %parallel_loop3A_472, %parallel_loop3A_476 : vector<16xf32>
      %parallel_loop3A_478 = arith.constant 13 : i32
      %parallel_loop3A_479 = arith.index_cast %parallel_loop3A_478 : i32 to index
      %parallel_loop3A_480 = arith.index_cast %parallel_loop3A_413 : i32 to index
      %parallel_loop3A_481 = tpu.vector_load %arg10[%parallel_loop3A_479, %parallel_loop3A_480] {strides = array<i32>} : memref<16x640xf32, #tpu.memory_space<vmem>>, vector<16xf32>,
      %parallel_loop3A_482 = arith.addf %parallel_loop3A_477, %parallel_loop3A_481 : vector<16xf32>
      %parallel_loop3A_483 = arith.constant 14 : i32
      %parallel_loop3A_484 = arith.index_cast %parallel_loop3A_483 : i32 to index
      %parallel_loop3A_485 = arith.index_cast %parallel_loop3A_413 : i32 to index
      %parallel_loop3A_486 = tpu.vector_load %arg10[%parallel_loop3A_484, %parallel_loop3A_485] {strides = array<i32>} : memref<16x640xf32, #tpu.memory_space<vmem>>, vector<16xf32>,
      %parallel_loop3A_487 = arith.addf %parallel_loop3A_482, %parallel_loop3A_486 : vector<16xf32>
      %parallel_loop3A_488 = arith.constant 15 : i32
      %parallel_loop3A_489 = arith.index_cast %parallel_loop3A_488 : i32 to index
      %parallel_loop3A_490 = arith.index_cast %parallel_loop3A_413 : i32 to index
      %parallel_loop3A_491 = tpu.vector_load %arg10[%parallel_loop3A_489, %parallel_loop3A_490] {strides = array<i32>} : memref<16x640xf32, #tpu.memory_space<vmem>>, vector<16xf32>,
      %parallel_loop3A_492 = arith.addf %parallel_loop3A_487, %parallel_loop3A_491 : vector<16xf32>
      %parallel_loop3A_493 = arith.index_cast %parallel_loop3A_413 : i32 to index
      %parallel_loop3A_494 = tpu.vector_load %arg9[%parallel_loop3A_493] {strides = array<i32>} : memref<10240xf32, #tpu.memory_space<vmem>>, vector<16xf32>,
      tpu.vector_store %arg9[%parallel_loop3A_493], %parallel_loop3A_492 {strides = array<i32>} : memref<10240xf32, #tpu.memory_space<vmem>>, vector<16xf32>,
    } {sc.loop_unroll_factor = 4 : i64, sc.parallel_access}
    %mul3A_408 = arith.constant 10240 : i32
    %mul3A_409 = arith.muli %arg0, %mul3A_408 : i32
    %add3A_410 = arith.addi %mul3A_409, %mul3A_20 : i32
    %run_scoped3A = arith.constant 0 : i32
    "tpu.region"() ({
      %run_scoped3A_411 = tpu.sem_alloc : memref<!tpu.dma_semaphore, #tpu.memory_space<semaphore_mem>>
      %dma_start3A_412 = tpu.memref_slice %arg9[%run_scoped3A] : memref<10240xf32, #tpu.memory_space<vmem>> -> memref<640xf32, #tpu.memory_space<vmem>>
      %dma_start3A_413 = tpu.memref_slice %arg5[%add3A_410] : memref<20480xf32, #tpu.memory_space<hbm>> -> memref<640xf32, #tpu.memory_space<hbm>>
      %dma_start3A_414 = tpu.memref_slice %arg5[%add3A_410] : memref<20480xf32, #tpu.memory_space<hbm>> -> memref<640xf32, #tpu.memory_space<hbm>>
      %dma_start3A_415 = tpu.memref_slice %arg9[%run_scoped3A] : memref<10240xf32, #tpu.memory_space<vmem>> -> memref<640xf32, #tpu.memory_space<vmem>>
      tpu.enqueue_dma source(%dma_start3A_415 : memref<640xf32, #tpu.memory_space<vmem>>) target(%dma_start3A_414 : memref<640xf32, #tpu.memory_space<hbm>>) target_semaphore(%run_scoped3A_411 : memref<!tpu.dma_semaphore, #tpu.memory_space<semaphore_mem>>)
      %dma_wait3A_416 = tpu.memref_slice %arg9[%run_scoped3A] : memref<10240xf32, #tpu.memory_space<vmem>> -> memref<640xf32, #tpu.memory_space<vmem>>
      %dma_wait3A_417 = tpu.memref_slice %arg5[%add3A_410] : memref<20480xf32, #tpu.memory_space<hbm>> -> memref<640xf32, #tpu.memory_space<hbm>>
      %dma_wait3A_418 = tpu.memref_slice %arg5[%add3A_410] : memref<20480xf32, #tpu.memory_space<hbm>> -> memref<640xf32, #tpu.memory_space<hbm>>
      %dma_wait3A_419 = tpu.memref_slice %arg9[%run_scoped3A] : memref<10240xf32, #tpu.memory_space<vmem>> -> memref<640xf32, #tpu.memory_space<vmem>>
      tpu.wait_dma2 semaphore(%run_scoped3A_411 : memref<!tpu.dma_semaphore, #tpu.memory_space<semaphore_mem>>) src(%dma_wait3A_419 : memref<640xf32, #tpu.memory_space<vmem>>) dst(%dma_wait3A_418 : memref<640xf32, #tpu.memory_space<hbm>>)
      tpu.yield
    }) : () -> ()
    return
  }
}

</mosaic_0001>

<sc_bundles>
// kernel: _sc_call.4.cloned.1.call-start
scs
__scs_entry_jumppad:
0x0: {  	(pc) =	sbr.rel $0x88, $3  }
0x1: {  	(tag) =	ssettag $0x0;
	lr =	simm.s32 $0x1  }
0x2: {  	[smem:$0x3F9D] =	sst lr;
	_ =	strace $0xD0000000  }
0x3: {  	_ = 	snop  }
0x4: {  	_ = 	snop  }
0x5: {  	_ = 	snop  }
0x6: {  	_ = 	snop  }
0x7: {  	_ = 	snop  }
__scs_overlays_trampoline_lowered:
0x8: {  	[smem:$0x3FAC] =	sst s0  }
0x9: {  	[smem:$0x3FAD] =	sst s1  }
0xa: {  	[smem:$0x3FAE] =	sst s2  }
0xb: {  	[smem:$0x3FAF] =	sst s3  }
0xc: {  	[smem:$0x3FB0] =	sst s4  }
0xd: {  	[smem:$0x3FB1] =	sst s5  }
0xe: {  	[smem:$0x3FB2] =	sst s6  }
0xf: {  	[smem:$0x3FB3] =	sst s7  }
0x10: {  	[smem:$0x3FB4] =	sst s8  }
0x11: {  	[smem:$0x3FB5] =	sst s9;
	s0 =	simm.s32 @!p0 $0x0  }
0x12: {  	s1 =	sld [smem:$0x3F9B];
	s0 =	simm.s32 @p0 $0x1  }
0x13: {  	[smem:$0x3FB6] =	sst s0;
	s0 =	simm.s32 @!p1 $0x0  }
0x14: {  	s2 =	sld [smem:$0x3F9A];
	s0 =	simm.s32 @p1 $0x1  }
0x15: {  	[smem:$0x3FB7] =	sst s0;
	s0 =	simm.s32 @!p2 $0x0  }
0x16: {  	s3 =	sld [smem:$0x3FDB];
	s0 =	simm.s32 @p2 $0x1  }
0x17: {  	s4 =	simm.s32 $0x1BF5;
	[smem:$0x3FB9] =	sst s0  }
0x18: {  	s0 =	sld [smem:$0x3F9C];
	_ =	swait.ge [sflag:s4], $0x0  }
0x19: {  	s7 =	sld [smem:$0x3F9D]  }
0x1a: {  	s8 =	sadd.s32 $0xFFFFE003, lr  }
0x1b: {  	s9 =	sadd.s32 $0xFFFFFEF7, lr;
	s5 =	simm.s32 $0xFFFFFFFF;
	p2 =	slt.u32 s8, $0xFFFFF086  }
0x1c: {  	p1 =	slt.u32 s9, $0xF7A;
	s5 =	simm.s32 @!p2 $0x0  }
0x1d: {  	s5 =	simm.s32 @p1 $0x1;
	p0 =	seq.s32 s7, s2  }
0x1e: {  	s7 =	smul.u32 @!p0 $0xF7A, s2;
	p2 =	seq.s32 @!p0 s5, $0x0  }
0x1f: {  	s9 =	smul.u32 $0xF7A, s1;
	s8 =	simm.s32 @!p0 $0x1BF5;
	p2 =	por !p2, p0  }
0x20: {  	[sflag:s8] =	ssyncset.s32 @!p0 $0xFFFFF086;
	s6 =	sadd.s32 @!p0 s3, s7;
	s7 =	simm.s32 @!p0 $0x108  }
0x21: {  	s3 =	sadd.s32 s3, s9;
	s6 =	sadd.s32 @!p0 $0x88, s6;
	s7 =	simm.s32 @p2 $0x1082  }
0x22: {  	[simem:s7], [sflag:s8] =	dma.local @!p0 [hbm:s6], $0xF7A  }
0x23: {  	s9 =	sor.u32 $0xD0000000, s2;
	s6 =	simm.s32 $0x108;
	_ =	swait.ge @!p0 [sflag:s8], $0x0  }
0x24: {  	s3 =	sadd.s32 $0x88, s3;
	s6 =	simm.s32 @!p1 $0x1082;
	[sflag:s4] =	ssyncset.s32 $0xFFFFF086  }
0x25: {  	[simem:s6], [sflag:s4] =	dma.local [hbm:s3], $0xF7A  }
0x26: {  	[smem:$0x3F9D] =	sst s1;
	(tag) =	ssettag s2;
	_ =	strace s9  }
0x27: {  	s1 =	sld [smem:$0x3FAD]  }
0x28: {  	s2 =	sld [smem:$0x3FAE]  }
0x29: {  	s4 =	sld [smem:$0x3FB0]  }
0x2a: {  	p0 =	seq.s32 s5, $0x0;
	s5 =	sld [smem:$0x3FB1]  }
0x2b: {  	s6 =	sld [smem:$0x3FB2]  }
0x2c: {  	s7 =	sld [smem:$0x3FB3]  }
0x2d: {  	s3 =	simm.s32 $0x108;
	s8 =	sld [smem:$0x3FB4]  }
0x2e: {  	s3 =	simm.s32 @!p0 $0x1082;
	s9 =	sld [smem:$0x3FB5]  }
0x2f: {  	lr =	sadd.s32 s0, s3;
	s0 =	sld [smem:$0x3FAC]  }
0x30: {  	s3 =	sld [smem:$0x3FAF]  }
0x31: {  	[smem:$0x3FB8] =	sst s10  }
0x32: {  	s10 =	sld [smem:$0x3FB6];
	_ =	sdelay $0x3  }
0x33: {  	p0 =	seq.s32 s10, $0x1;
	s10 =	sld [smem:$0x3FB8];
	_ =	sdelay $0x3  }
0x34: {  	[smem:$0x3FB8] =	sst s10  }
0x35: {  	s10 =	sld [smem:$0x3FB7];
	_ =	sdelay $0x3  }
0x36: {  	p1 =	seq.s32 s10, $0x1;
	s10 =	sld [smem:$0x3FB8];
	_ =	sdelay $0x3  }
0x37: {  	[smem:$0x3FB8] =	sst s10  }
0x38: {  	s10 =	sld [smem:$0x3FB9]  }
0x39: {  	_ = 	snop;
	(pc) =	sbr.ind lr, $3  }
0x3a: {  	_ = 	snop  }
0x3b: {  	_ = 	snop  }
0x3c: {  	p2 =	seq.s32 s10, $0x1;
	s10 =	sld [smem:$0x3FB8]  }
0x3d: {  	_ =	shalt  }
0x3e: {  	_ =	shalt  }
0x3f: {  	_ =	shalt  }
0x40: {  	_ =	shalt  }
0x41: {  	_ =	shalt  }
0x42: {  	_ =	shalt  }
0x43: {  	_ =	shalt  }
0x44: {  	_ =	shalt  }
0x45: {  	_ =	shalt  }
0x46: {  	_ =	shalt  }
0x47: {  	_ =	shalt  }
0x48: {  	_ =	shalt  }
0x49: {  	_ =	shalt  }
0x4a: {  	_ =	shalt  }
0x4b: {  	_ =	shalt  }
0x4c: {  	_ =	shalt  }
0x4d: {  	_ =	shalt  }
0x4e: {  	_ =	shalt  }
0x4f: {  	_ =	shalt  }
0x50: {  	_ =	shalt  }
0x51: {  	_ =	shalt  }
0x52: {  	_ =	shalt  }
0x53: {  	_ =	shalt  }
0x54: {  	_ =	shalt  }
0x55: {  	_ =	shalt  }
0x56: {  	_ =	shalt  }
0x57: {  	_ =	shalt  }
0x58: {  	_ =	shalt  }
0x59: {  	_ =	shalt  }
0x5a: {  	_ =	shalt  }
0x5b: {  	_ =	shalt  }
0x5c: {  	_ =	shalt  }
0x5d: {  	_ =	shalt  }
0x5e: {  	_ =	shalt  }
0x5f: {  	_ =	shalt  }
0x60: {  	_ =	shalt  }
0x61: {  	_ =	shalt  }
0x62: {  	_ =	shalt  }
0x63: {  	_ =	shalt  }
0x64: {  	_ =	shalt  }
0x65: {  	_ =	shalt  }
0x66: {  	_ =	shalt  }
0x67: {  	_ =	shalt  }
0x68: {  	_ =	shalt  }
0x69: {  	_ =	shalt  }
0x6a: {  	_ =	shalt  }
0x6b: {  	_ =	shalt  }
0x6c: {  	_ =	shalt  }
0x6d: {  	_ =	shalt  }
0x6e: {  	_ =	shalt  }
0x6f: {  	_ =	shalt  }
0x70: {  	_ =	shalt  }
0x71: {  	_ =	shalt  }
0x72: {  	_ =	shalt  }
0x73: {  	_ =	shalt  }
0x74: {  	_ =	shalt  }
0x75: {  	_ =	shalt  }
0x76: {  	_ =	shalt  }
0x77: {  	_ =	shalt  }
0x78: {  	_ =	shalt  }
0x79: {  	_ =	shalt  }
0x7a: {  	_ =	shalt  }
0x7b: {  	_ =	shalt  }
0x7c: {  	_ =	shalt  }
0x7d: {  	_ =	shalt  }
0x7e: {  	_ =	shalt  }
0x7f: {  	_ =	shalt  }
0x80: {  	_ =	shalt  }
0x81: {  	_ =	shalt  }
0x82: {  	_ =	shalt  }
0x83: {  	_ =	shalt  }
0x84: {  	_ =	shalt  }
0x85: {  	_ =	shalt  }
0x86: {  	_ =	shalt  }
0x87: {  	_ =	shalt  }
.Lfunc_end0:
.L_simem_size_0:
called_computation_lowered:
.L_overlay_start_0:
0x88: {  	s2 =	sld [smem:$0x3FD9]  }
0x89: {  	s3 =	sld [smem:$0x3FFE];
	_ =	sdelay $0x1  }
0x8a: {  	s1 =	srdreg.scid  }
0x8b: {  	s0 =	sand.u32 $0x1, s1  }
0x8c: {  	s17 =	sshll.u32 s0, $0xA;
	s2 =	sadd.s32 s3, s2  }
0x8d: {  	s2 =	sadd.s32 s2, s17  }
0x8e: {  	[smem:$0x3FC4] =	sst s2  }
0x8f: {  	_ = 	snop  }
0x90: {  	s2 =	sld [smem:$0x3FC9]  }
0x91: {  	s18 =	sld [smem:$0x3FC8]  }
0x92: {  	s4 =	sld [smem:$0x3FC7];
	(tm) =	ssettm $0x1  }
0x93: {  	s5 =	sld [smem:$0x3FFB];
	_ =	sdelay $0x3  }
0x94: {  	_ =	strace s5  }
0x95: {  	s5 =	sld [smem:$0x3FFC];
	_ =	sdelay $0x3  }
0x96: {  	_ =	strace s5  }
0x97: {  	s5 =	sld [smem:$0x3FFD];
	_ =	sdelay $0x3  }
0x98: {  	_ =	strace s5  }
0x99: {  	_ =	strace $0x8FFFFFFF  }
0x9a: {  	s19 =	sld [smem:$0x3FDB];
	_ =	sdelay $0x1  }
0x9b: {  	s6 =	simm.s32 $_scs_section_size  }
0x9c: {  	s7 =	simm.s32 $_size__tile_overlayer_lowered;
	s8 =	simm.s32 $_tile_overlayer_lowered  }
0x9d: {  	s22 =	simm.s32 $0x1BFF;
	s21 =	sshll.u32 s8, $0x1;
	s5 =	sadd.s32 s6, s19  }
0x9e: {  	s9 =	simm.s32 $0x0;
	s20 =	sshll.u32 s7, $0x1;
	s7 =	sadd.s32 s21, s5  }
0x9f: {  	[timem:s9], [sflag:s22] =	dma.local [hbm:s7], s20  }
0xa0: {  	_ =	swait.ge [sflag:s22], s20  }
0xa1: {  	s6 =	ssub.s32 $0x0, s20;
	[sflag:s22] =	ssyncset.done $0x0  }
0xa2: {  	[sflag:s22] =	ssyncadd.s32 s6;
	_ =	sdelay $0x1  }
0xa3: {  	s23 =	simm.s32 $0x1B8B  }
0xa4: {  	_ =	swait.ge [sflag:s23], $0x1  }
0xa5: {  	[sflag:s23] =	ssyncset.done $0x0  }
0xa6: {  	s25 =	simm.s32 $0x1B8E;
	s24 =	sld [smem:$0x3FFE];
	[sflag:s23] =	ssyncadd.s32 $0xFFFFFFFF  }
0xa7: {  	s26 =	simm.s32 $execute0_lowered;
	[smem:$0x3FD2] =	sst s25  }
0xa8: {  	s7 =	sshll.u32 s26, $0x1;
	_ =	strace $0x80000046;
	[dreg:$0x1] =	wrdreg $0xFFFFFFFF  }
0xa9: {  	s28 =	simm.s32 $_size_execute0_lowered;
	s5 =	sadd.s32 s5, s7;
	[dreg:$0x0] =	wrdreg $0x0  }
0xaa: {  	s7 =	sshll.u32 s28, $0x1;
	[dreg:$0x2] =	wrdreg s5  }
0xab: {  	[dreg:$0x3] =	wrdreg s7  }
0xac: {  	[dreg:$0x4] =	wrdreg $0xC0  }
0xad: {  	_ =	task [dreg:s9], $0x5FFFF  }
0xae: {  	[dreg:$0x1] =	wrdreg $0xFFFFFFFF  }
0xaf: {  	[dreg:$0x0] =	wrdreg $0x60  }
0xb0: {  	[dreg:$0x2] =	wrdreg s2  }
0xb1: {  	[dreg:$0x3] =	wrdreg s18  }
0xb2: {  	[dreg:$0x4] =	wrdreg s4  }
0xb3: {  	[dreg:$0x5] =	wrdreg s24  }
0xb4: {  	[dreg:$0x6] =	wrdreg $0xB2C00  }
0xb5: {  	[dreg:$0x7] =	wrdreg $0x9  }
0xb6: {  	_ =	task.clear_ibuf [dreg:s9], $0x8FFFF;
	_ =	strace $0x90000046  }
0xb7: {  	s29 =	simm.s32 $0x9;
	_ =	strace $0x80000048  }
0xb8: {  	_ =	swait.ge [sflag:s29], $0x1  }
0xb9: {  	[sflag:s29] =	ssyncadd.s32 $0xFFFFFFFF  }
0xba: {  	_ =	strace $0x90000048  }
0xbb: {  	_ =	sfence  }
0xbc: {  	s30 =	sld [smem:$0x0];
	_ =	sdelay $0x2  }
0xbd: {  	s31 =	sshll.u32 s1, $0xD;
	s1 =	sshrl.u32 s1, $0x2  }
0xbe: {  	s3 =	sand.u32 $0x4000, s31;
	s1 =	sadd.s32 s1, s30  }
0xbf: {  	s0 =	sor.u32 s3, s0;
	s1 =	sshll.u32 s1, $0x11  }
0xc0: {  	s0 =	sor.u32 s1, s0  }
0xc1: {  	s0 =	sadd.s32 $0x8F2B, s0  }
0xc2: {  	[sflag:s0] =	ssyncadd.remote.s32 $0x1  }
0xc3: {  	_ =	sfence.sel $0xFFFF  }
0xc4: {  	[dreg:$0x0] =	wrdreg $0xFFFFFFFF;
	(pc) =	sbr.abs _section_cstart, $3  }
0xc5: {  	[dreg:$0x1] =	wrdreg $0xFFFFFFFF  }
0xc6: {  	_ =	task.clear_ibuf [dreg:s9], $0x2FFFF;
	_ =	strace $0x9FFFFFFF  }
0xc7: {  	(tm) =	ssettm $0x7FFFFFFF  }
tec
execute0_lowered:
.L_overlay_start_1:
0x0: {  	(tag) =	ssettag $0x1  }
0x1: {  	s6 =	rddreg [dreg:$0x0]  }
0x2: {  	s4 =	rddreg [dreg:$0x1]  }
0x3: {  	s5 =	rddreg [dreg:$0x2]  }
0x4: {  	s0 =	srdreg.scid;
	s3 =	rddreg [dreg:$0x3]  }
0x5: {  	s1 =	rddreg [dreg:$0x4];
	s11 =	stileid.u32;
	s2 =	simm.s32 $0x0  }
0x6: {  	s14 =	simm.s32 $0x2710;
	s15 =	simm.s32 $0x4E20;
	s16 =	simm.s32 $0x1  }
0x7: {  	s17 =	simm.s32 $0xB040;
	s18 =	simm.s32 $0x2;
	s19 =	simm.s32 $0x7530  }
0x8: {  	s7 =	sand.u32 $0x1, s0;
	s0 =	rddreg [dreg:$0x5];
	s9 =	smul.u32 $0x2700, s11  }
0x9: {  	s20 =	simm.s32 $0x0;
	[smem:$0x7FF] =	sst s2;
	s12 =	smul.u32 $0x9C0, s11  }
0xa: {  	p0 =	sne.s32 s11, $0x0;
	s8 =	sshll.u32 s7, $0x4;
	s7 =	ssub.s32 $0x2, s7  }
0xb: {  	_ =	strace $0x80000047;
	s8 =	sor.u32 s11, s8;
	s30 =	sshrl.u32 s7, $0x1  }
0xc: {  	s31 =	sshrl.u32 s12, $0x2;
	s11 =	simm.s32 $0x8;
	s8 =	smul.u32 $0x4E2, s8  }
0xd: {  	s12 =	simm.s32 $0x80;
	s13 =	ssub.s32 s7, s30;
	s7 =	sadd.s32 s31, s1  }
0xe: {  	v0 =	vlaneseq.u32;
	s10 =	sadd.s32 s8, s3;
	s3 =	sadd.s32 s6, s9;
	s4 =	sadd.s32 s4, s8  }
0xf: {  	v0 =	vmul.u32 $0x8, v0;
	s5 =	sadd.s32 s5, s8;
	s6 =	sadd.s32 $0x27000, s6;
	s8 =	sadd.s32 $0x2700, s1  }
0x10: {  	s9 =	sadd.s32 $0x800, s10;
	s10 =	smax.u32 s13, $0x1;
	s13 =	simm.s32 $0x9C40  }
.LBB2_1:
0x11: {  	[tilespmem:s13], [sflag:$0x1] =	stream.strided.gather [hbm4b:s3+s11], $0x1380, s12, s11, $0x38;
	[tilespmem:$0xB538] =	vst v63  }
0x12: {  	_ = 	snop  }
0x13: {  	[tilespmem:s14], [sflag:$0x1] =	stream.linear.gather [hbm4b:s4+s2], $0x2710, $0x38;
	[tilespmem:$0xB538] =	vst v63  }
0x14: {  	s21 =	simm.s32 @!p0 $0x8;
	s22 =	simm.s32 @!p0 $0x80  }
0x15: {  	[tilespmem:s15], [sflag:$0x1] =	stream.linear.gather [hbm4b:s5+s2], $0x2710, $0x38;
	[tilespmem:$0xB538] =	vst v63  }
0x16: {  	s23 =	simm.s32 @!p0 $0xAFC0;
	s30 =	simm.s32 $0x30;
	s31 =	simm.s32 $0x0  }
0x17: {  	[tilespmem:s23], [sflag:$0x2] =	stream.strided.gather @!p0 [hbm4b:s6+s21], $0x80, s22, s21, $0x38;
	[tilespmem:$0xB538] =	vst v63  }
0x18: {  	s24 =	simm.s32 $0x70;
	s25 =	simm.s32 $0x80;
	v1 =	vmov s30;
	v2 =	vmov s31;
	s22 =	simm.s32 @!p0 $0x2  }
0x19: {  	s26 =	simm.s32 $0x40;
	v3 =	vmov s24;
	v4 =	vmov s25;
	v1 =	vshll.u32 v1, $0x3;
	_ =	swait.ge @!p0 [sflag:s22], $0x80  }
0x1a: {  	s28 =	simm.s32 $0x90;
	v5 =	vmov s26;
	v3 =	vshll.u32 v3, $0x3;
	v1 =	vor.u32 v0, v1;
	[sflag:s22] =	ssyncset.done @!p0 $0x0  }
0x1b: {  	s29 =	simm.s32 $0x10;
	v6 =	vmov s28;
	v4 =	vshll.u32 v4, $0x3;
	v3 =	vor.u32 v0, v3;
	[sflag:s22] =	ssyncadd.s32 @!p0 $0xFFFFFF80  }
0x1c: {  	v7 =	vmov s29;
	s30 =	simm.s32 $0x60;
	v5 =	vshll.u32 v5, $0x3;
	v4 =	vor.u32 v0, v4;
	_ =	swait.ge [sflag:s16], $0x1380  }
0x1d: {  	s31 =	simm.s32 $0x50;
	v6 =	vshll.u32 v6, $0x3;
	v8 =	vmov s30;
	v5 =	vor.u32 v0, v5;
	[sflag:s16] =	ssyncset.done $0x0  }
0x1e: {  	s24 =	simm.s32 $0xB0;
	v7 =	vshll.u32 v7, $0x3;
	v9 =	vmov s31;
	v6 =	vor.u32 v0, v6;
	[sflag:s16] =	ssyncadd.s32 $0xFFFFEC80  }
0x1f: {  	s25 =	simm.s32 $0xA0;
	v11 =	vmov s24;
	v7 =	vor.u32 v0, v7;
	v8 =	vshll.u32 v8, $0x3;
	v1 =	vld.idx.msk [tilespmem:v1+s13+$0x0], $0xffff  }
0x20: {  	s26 =	simm.s32 $0xC0;
	v12 =	vmov s25;
	v9 =	vshll.u32 v9, $0x3;
	v8 =	vor.u32 v0, v8;
	v3 =	vld.idx.msk [tilespmem:v3+s13+$0x0], $0xffff  }
0x21: {  	v13 =	vmov s26;
	v11 =	vshll.u32 v11, $0x3;
	v9 =	vor.u32 v0, v9;
	s23 =	simm.s32 $0x20;
	v4 =	vld.idx.msk [tilespmem:v4+s13+$0x0], $0xffff  }
0x22: {  	v12 =	vshll.u32 v12, $0x3;
	v11 =	vor.u32 v0, v11;
	v10 =	vmov s23;
	v5 =	vld.idx.msk [tilespmem:v5+s13+$0x0], $0xffff  }
0x23: {  	s29 =	simm.s32 $0xD0;
	v2 =	vshll.u32 v2, $0x3;
	v12 =	vor.u32 v0, v12;
	v10 =	vshll.u32 v10, $0x3;
	v6 =	vld.idx.msk [tilespmem:v6+s13+$0x0], $0xffff  }
0x24: {  	s24 =	simm.s32 $0xE0;
	v14 =	vmov s29;
	s31 =	simm.s32 $0x140;
	v13 =	vshll.u32 v13, $0x3;
	s21 =	simm.s32 $0xB0A0;
	v10 =	vor.u32 v0, v10;
	v7 =	vld.idx.msk [tilespmem:v7+s13+$0x0], $0xffff  }
0x25: {  	s28 =	simm.s32 $0x100;
	s25 =	simm.s32 $0x150;
	v2 =	vor.u32 v0, v2;
	v15 =	vmov s24;
	v16 =	vmov s31;
	v8 =	vld.idx.msk [tilespmem:v8+s13+$0x0], $0xffff;
	[tilespmem:s21+$0xFFFFFFD0] =	vst v1  }
0x26: {  	s30 =	simm.s32 $0x110;
	s24 =	simm.s32 $0x130;
	v62 =	vmov s25;
	v13 =	vor.u32 v0, v13;
	v9 =	vld.idx.msk [tilespmem:v9+s13+$0x0], $0xffff;
	v1 =	vmov s28;
	[tilespmem:s21+$0x10] =	vst v3  }
0x27: {  	v17 =	vmov s24;
	v11 =	vld.idx.msk [tilespmem:v11+s13+$0x0], $0xffff;
	v3 =	vmov s30;
	[tilespmem:s21+$0x20] =	vst v4;
	v1 =	vshll.u32 v1, $0x3  }
0x28: {  	v63 =	vld.idx.msk [tilespmem:v12+s13+$0x0], $0xffff;
	v4 =	vshll.u32 v16, $0x3;
	[tilespmem:s21+$0xFFFFFFE0] =	vst v5;
	v3 =	vshll.u32 v3, $0x3;
	v1 =	vor.u32 v0, v1  }
0x29: {  	s26 =	simm.s32 $0x160;
	v10 =	vld.idx.msk [tilespmem:v10+s13+$0x0], $0xffff;
	[tilespmem:s21+$0x30] =	vst v6;
	v5 =	vor.u32 v0, v4;
	v4 =	vshll.u32 v62, $0x3;
	v18 =	vor.u32 v0, v3  }
0x2a: {  	s29 =	simm.s32 $0x180;
	[tilespmem:s21+$0xFFFFFFB0] =	vst v7;
	v6 =	vor.u32 v0, v4;
	v3 =	vmov s26;
	v4 =	vld.idx.msk [tilespmem:v2+s13+$0x0], $0xffff;
	v2 =	vshll.u32 v14, $0x3  }
0x2b: {  	v19 =	vld.idx.msk [tilespmem:v13+s13+$0x0], $0xffff;
	[tilespmem:s21+$0x0] =	vst v8;
	v14 =	vshll.u32 v15, $0x3;
	v7 =	vshll.u32 v3, $0x3;
	v3 =	vmov s29  }
0x2c: {  	s31 =	simm.s32 $0x120;
	[tilespmem:s21+$0xFFFFFFF0] =	vst v9;
	v9 =	vor.u32 v0, v14;
	v8 =	vshll.u32 v3, $0x3;
	v12 =	vor.u32 v0, v7  }
0x2d: {  	s30 =	simm.s32 $0xF0;
	[tilespmem:s21+$0x50] =	vst v11;
	v7 =	vmov s31;
	v3 =	vld.idx.msk [tilespmem:v1+s13+$0x0], $0xffff;
	v1 =	vor.u32 v0, v8;
	v8 =	vshll.u32 v17, $0x3  }
0x2e: {  	s28 =	simm.s32 $0x170;
	[tilespmem:s21+$0xFFFFFFC0] =	vst v10;
	v10 =	vmov s30;
	v7 =	vshll.u32 v7, $0x3;
	v5 =	vld.idx.msk [tilespmem:v5+s13+$0x0], $0xffff;
	v11 =	vor.u32 v0, v8  }
0x2f: {  	s25 =	simm.s32 $0x190;
	[tilespmem:s21+$0x40] =	vst v63;
	v13 =	vmov s28;
	v6 =	vld.idx.msk [tilespmem:v6+s13+$0x0], $0xffff;
	v8 =	vshll.u32 v10, $0x3;
	v10 =	vor.u32 v0, v7  }
0x30: {  	s24 =	simm.s32 $0x260;
	s23 =	simm.s32 $0xD;
	s22 =	simm.s32 $0xB170;
	[tilespmem:s21+$0x60] =	vst v19;
	v13 =	vshll.u32 v13, $0x3;
	v7 =	vld.idx.msk [tilespmem:v18+s13+$0x0], $0xffff;
	v8 =	vor.u32 v0, v8  }
.LBB2_2:
0x31: {  	s28 =	sadd.s32 $0xFFFFFF40, s24;
	s29 =	sadd.s32 $0xFFFFFF50, s24;
	s26 =	sadd.s32 $0xFFFFFF60, s24;
	v14 =	vor.u32 v0, v2;
	v2 =	vld.idx.msk [tilespmem:v12+s13+$0x0], $0xffff;
	v12 =	vor.u32 v0, v13;
	v13 =	vmov s25;
	[tilespmem:s21+$0xFFFFFFA0] =	vst v4  }
0x32: {  	s21 =	sadd.s32 $0xFFFFFF70, s24;
	s25 =	sadd.s32 $0xFFFFFF80, s24;
	v4 =	vmov s28;
	v15 =	vmov s29;
	s28 =	sadd.s32 $0xFFFFFF90, s24;
	v9 =	vld.idx.msk [tilespmem:v9+s13+$0x0], $0xffff;
	[tilespmem:s22+$0xFFFFFFD0] =	vst v3;
	v3 =	vshll.u32 v13, $0x3  }
0x33: {  	s23 =	sadd.s32 $0xD, s23;
	v13 =	vmov s21;
	v16 =	vmov s25;
	s21 =	sadd.s32 $0xFFFFFFA0, s24;
	s25 =	sadd.s32 $0xFFFFFFB0, s24;
	v11 =	vld.idx.msk [tilespmem:v11+s13+$0x0], $0xffff;
	v3 =	vor.u32 v0, v3  }
0x34: {  	p1 =	slt.u32 s23, $0x1A;
	v13 =	vshll.u32 v13, $0x3;
	v17 =	vmov s21;
	v18 =	vmov s25;
	s21 =	sadd.s32 $0xFFFFFFC0, s24;
	s25 =	smov.u32 s24;
	v10 =	vld.idx.msk [tilespmem:v10+s13+$0x0], $0xffff;
	[tilespmem:s22+$0x10] =	vst v5  }
0x35: {  	v5 =	vor.u32 v0, v13;
	v13 =	vshll.u32 v18, $0x3;
	v18 =	vmov s21;
	s21 =	smov.u32 s22;
	v8 =	vld.idx.msk [tilespmem:v8+s13+$0x0], $0xffff;
	[tilespmem:s22+$0x20] =	vst v6  }
0x36: {  	s29 =	sadd.s32 $0xFFFFFFD0, s24;
	v6 =	vshll.u32 v16, $0x3;
	v16 =	vor.u32 v0, v13;
	v13 =	vshll.u32 v18, $0x3;
	[tilespmem:s22+$0xFFFFFFE0] =	vst v7;
	v7 =	vld.idx.msk [tilespmem:v1+s13+$0x0], $0xffff  }
0x37: {  	s30 =	sadd.s32 $0xFFFFFFF0, s24;
	v18 =	vor.u32 v0, v6;
	v6 =	vor.u32 v0, v13;
	v1 =	vmov s29;
	s29 =	sadd.s32 $0xFFFFFFE0, s24;
	[tilespmem:s22+$0x30] =	vst v2;
	v19 =	vld.idx.msk [tilespmem:v12+s13+$0x0], $0xffff  }
0x38: {  	v20 =	vmov s30;
	v1 =	vshll.u32 v1, $0x3;
	v12 =	vmov s29;
	[tilespmem:s22+$0xFFFFFFB0] =	vst v9;
	v21 =	vld.idx.msk [tilespmem:v3+s13+$0x0], $0xffff  }
0x39: {  	v2 =	vshll.u32 v4, $0x3;
	v13 =	vshll.u32 v12, $0x3;
	v9 =	vshll.u32 v20, $0x3;
	v4 =	vld.idx.msk [tilespmem:v14+s13+$0x0], $0xffff;
	[tilespmem:s22+$0x0] =	vst v11  }
.Ltmp0:
0x3a: {  	v12 =	vor.u32 v0, v1;
	v11 =	vshll.u32 v15, $0x3;
	v1 =	vor.u32 v0, v9;
	v3 =	vld.idx.msk [tilespmem:v5+s13+$0x0], $0xffff;
	[tilespmem:s22+$0xFFFFFFF0] =	vst v10;
	(pc) =	sbr.rel @p1 .LBB2_2-.Ltmp0, $4  }
0x3b: {  	v9 =	vor.u32 v0, v11;
	v5 =	vmov s28;
	v10 =	vshll.u32 v17, $0x3;
	[tilespmem:s22+$0xFFFFFFC0] =	vst v8  }
0x3c: {  	v8 =	vmov s26;
	v14 =	vshll.u32 v5, $0x3;
	v11 =	vor.u32 v0, v10;
	v5 =	vld.idx.msk [tilespmem:v16+s13+$0x0], $0xffff;
	[tilespmem:s22+$0x50] =	vst v7  }
0x3d: {  	v7 =	vshll.u32 v8, $0x3;
	v10 =	vor.u32 v0, v14;
	v6 =	vld.idx.msk [tilespmem:v6+s13+$0x0], $0xffff;
	[tilespmem:s22+$0x40] =	vst v19  }
0x3e: {  	s24 =	sadd.s32 $0xD0, s24;
	v8 =	vor.u32 v0, v7;
	s22 =	sadd.s32 $0xD0, s22;
	v7 =	vld.idx.msk [tilespmem:v18+s13+$0x0], $0xffff;
	[tilespmem:s21+$0x60] =	vst v21  }
0x3f: {  	_ =	sdelay $0x3  }
0x40: {  	v12 =	vld.idx.msk [tilespmem:v12+s13+$0x0], $0xffff;
	[tilespmem:s21+$0xFFFFFFA0] =	vst v4  }
0x41: {  	v14 =	vmov s25;
	v4 =	vor.u32 v0, v13;
	v9 =	vld.idx.msk [tilespmem:v9+s13+$0x0], $0xffff;
	[tilespmem:s22+$0xFFFFFFD0] =	vst v3  }
0x42: {  	v11 =	vld.idx.msk [tilespmem:v11+s13+$0x0], $0xffff;
	v2 =	vor.u32 v0, v2;
	v3 =	vshll.u32 v14, $0x3;
	[tilespmem:s22+$0x10] =	vst v5  }
0x43: {  	v1 =	vld.idx.msk [tilespmem:v1+s13+$0x0], $0xffff;
	v3 =	vor.u32 v0, v3;
	[tilespmem:s22+$0x20] =	vst v6  }
0x44: {  	v5 =	vld.idx.msk [tilespmem:v10+s13+$0x0], $0xffff;
	[tilespmem:s22+$0xFFFFFFE0] =	vst v7  }
0x45: {  	v6 =	vld.idx.msk [tilespmem:v8+s13+$0x0], $0xffff;
	[tilespmem:s22+$0x30] =	vst v12  }
0x46: {  	v4 =	vld.idx.msk [tilespmem:v4+s13+$0x0], $0xffff;
	[tilespmem:s22+$0xFFFFFFB0] =	vst v9  }
0x47: {  	[tilespmem:s22+$0x0] =	vst v11;
	v2 =	vld.idx.msk [tilespmem:v2+s13+$0x0], $0xffff  }
0x48: {  	[tilespmem:s22+$0x50] =	vst v1;
	v3 =	vld.idx.msk [tilespmem:v3+s13+$0x0], $0xffff  }
0x49: {  	[tilespmem:s22+$0xFFFFFFF0] =	vst v5  }
0x4a: {  	v1 =	vlaneseq.u32 @!p0;
	[tilespmem:s22+$0xFFFFFFC0] =	vst v6  }
0x4b: {  	v1 =	vmul.u32 @!p0 $0x8, v1;
	[tilespmem:s22+$0x40] =	vst v4  }
0x4c: {  	[tilespmem:s22+$0xFFFFFFA0] =	vst v2  }
0x4d: {  	v1 =	vor.u32 @!p0 $0x1380, v1;
	[tilespmem:s22+$0x60] =	vst v3  }
0x4e: {  	[spmem:s7] =	stream.linear.scatter [tilespmem:s17], [sflag:$0x2], $0x270, $0x38;
	[tilespmem:$0xB538] =	vst v63  }
0x4f: {  	_ =	swait.ge [sflag:s18], $0x270  }
0x50: {  	[sflag:s18] =	ssyncset.done $0x0  }
0x51: {  	s21 =	simm.s32 @!p0 $0x9C40;
	[sflag:s18] =	ssyncadd.s32 $0xFFFFFD90  }
0x52: {  	v1 =	vld.idx.msk @!p0 [tilespmem:v1+s21+$0x0], $0xffff;
	_ =	sdelay $0x4  }
0x53: {  	s21 =	simm.s32 @!p0 $0xB2B0;
	[tilespmem:$0xB2B0] =	vst @!p0 v1  }
0x54: {  	[spmem:s8] =	stream.linear.scatter @!p0 [tilespmem:s21], [sflag:$0x2], $0x10, $0x38;
	[tilespmem:$0xB538] =	vst v63  }
0x55: {  	s21 =	simm.s32 @!p0 $0x2  }
0x56: {  	_ =	swait.ge @!p0 [sflag:s21], $0x10  }
0x57: {  	[sflag:s21] =	ssyncset.done @!p0 $0x0  }
0x58: {  	[sflag:s21] =	ssyncadd.s32 @!p0 $0xFFFFFFF0  }
0x59: {  	[bflag:$0x0] =	sbarrier.arrive $0xFFFF  }
0x5a: {  	[tilespmem:s2], [sflag:$0x2] =	stream.linear.gather [spmem:s1], $0x2710, $0x38;
	[tilespmem:$0xB538] =	vst v63  }
0x5b: {  	_ =	swait.ge [sflag:s18], $0x2710  }
0x5c: {  	[sflag:s18] =	ssyncset.done $0x0  }
0x5d: {  	[sflag:s18] =	ssyncadd.s32 $0xFFFFD8F0  }
0x5e: {  	_ =	swait.ge [sflag:s16], $0x2710  }
0x5f: {  	[sflag:s16] =	ssyncset.done $0x0  }
0x60: {  	[sflag:s16] =	ssyncadd.s32 $0xFFFFD8F0  }
0x61: {  	_ =	swait.ge [sflag:s16], $0x2710  }
0x62: {  	[sflag:s16] =	ssyncset.done $0x0  }
0x63: {  	s31 =	simm.s32 $0x27D0;
	[sflag:s16] =	ssyncadd.s32 $0xFFFFD8F0  }
0x64: {  	s21 =	simm.s32 $0x4EE0;
	v1 =	vld [tilespmem:s31+$0xC0]  }
0x65: {  	v2 =	vld [tilespmem:s21+$0xC0]  }
0x66: {  	v3 =	vld [tilespmem:s21+$0xFFFFFF40]  }
0x67: {  	v4 =	vld [tilespmem:s31+$0xFFFFFF50]  }
0x68: {  	v5 =	vld [tilespmem:s21+$0xFFFFFF50]  }
0x69: {  	v6 =	vld [tilespmem:s31+$0xFFFFFF60]  }
0x6a: {  	v7 =	vld [tilespmem:s21+$0xFFFFFF60]  }
0x6b: {  	v8 =	vld [tilespmem:s31+$0xFFFFFF70]  }
0x6c: {  	v62 =	vld [tilespmem:s21+$0xFFFFFF70]  }
0x6d: {  	v63 =	vld [tilespmem:s31+$0xFFFFFF80]  }
0x6e: {  	v52 =	vld [tilespmem:s21+$0xFFFFFF80]  }
0x6f: {  	v53 =	vld [tilespmem:s31+$0xFFFFFF90]  }
0x70: {  	v54 =	vld [tilespmem:s21+$0xFFFFFF90]  }
0x71: {  	v55 =	vld [tilespmem:s31+$0xFFFFFFA0]  }
0x72: {  	v15 =	vld [tilespmem:s21+$0xFFFFFFA0]  }
0x73: {  	v16 =	vld [tilespmem:s31+$0xFFFFFFB0]  }
0x74: {  	v17 =	vld [tilespmem:s21+$0xFFFFFFB0]  }
0x75: {  	v18 =	vld [tilespmem:s31+$0xFFFFFFC0]  }
0x76: {  	v19 =	vld [tilespmem:s21+$0xFFFFFFC0]  }
0x77: {  	v20 =	vld [tilespmem:s31+$0xFFFFFFD0]  }
0x78: {  	v21 =	vld [tilespmem:s21+$0xFFFFFFD0]  }
0x79: {  	v22 =	vld [tilespmem:s31+$0xFFFFFFE0]  }
0x7a: {  	v23 =	vld [tilespmem:s21+$0xFFFFFFE0]  }
0x7b: {  	v24 =	vld [tilespmem:s31+$0xFFFFFFF0]  }
0x7c: {  	v25 =	vld [tilespmem:s21+$0xFFFFFFF0]  }
0x7d: {  	v26 =	vld [tilespmem:s31+$0x0]  }
0x7e: {  	v27 =	vld [tilespmem:s21+$0x0]  }
0x7f: {  	v28 =	vld [tilespmem:s31+$0x10]  }
0x80: {  	v29 =	vld [tilespmem:s21+$0x10]  }
0x81: {  	v30 =	vld [tilespmem:s31+$0x20]  }
0x82: {  	v31 =	vld [tilespmem:s21+$0x20]  }
0x83: {  	v32 =	vld [tilespmem:s31+$0x30]  }
0x84: {  	v33 =	vld [tilespmem:s21+$0x30]  }
0x85: {  	v34 =	vld [tilespmem:s31+$0x40]  }
0x86: {  	v35 =	vld [tilespmem:s21+$0x40]  }
0x87: {  	v36 =	vld [tilespmem:s31+$0x50]  }
0x88: {  	v37 =	vld [tilespmem:s21+$0x50]  }
0x89: {  	v38 =	vld [tilespmem:s31+$0x60]  }
0x8a: {  	v39 =	vld [tilespmem:s21+$0x60]  }
0x8b: {  	v40 =	vld [tilespmem:s31+$0x70]  }
0x8c: {  	v41 =	vld [tilespmem:s21+$0x70]  }
0x8d: {  	v42 =	vld [tilespmem:s31+$0x80]  }
0x8e: {  	v43 =	vld [tilespmem:s21+$0x80]  }
0x8f: {  	v44 =	vld [tilespmem:s31+$0x90]  }
0x90: {  	v45 =	vld [tilespmem:s21+$0x90]  }
0x91: {  	v46 =	vld [tilespmem:s31+$0xA0]  }
0x92: {  	v47 =	vld [tilespmem:s21+$0xA0]  }
0x93: {  	v48 =	vld [tilespmem:s31+$0xB0]  }
0x94: {  	v49 =	vld [tilespmem:s21+$0xB0]  }
0x95: {  	v50 =	vld [tilespmem:s31+$0xFFFFFF40]  }
0x96: {  	v1 =	vld.idx.msk [tilespmem:v1+s2+$0x0], $0xffff  }
0x97: {  	v2 =	vld.idx.msk [tilespmem:v2+s2+$0x0], $0xffff  }
0x98: {  	v3 =	vld.idx.msk [tilespmem:v3+s2+$0x0], $0xffff  }
0x99: {  	v4 =	vld.idx.msk [tilespmem:v4+s2+$0x0], $0xffff  }
0x9a: {  	v5 =	vld.idx.msk [tilespmem:v5+s2+$0x0], $0xffff  }
0x9b: {  	v6 =	vld.idx.msk [tilespmem:v6+s2+$0x0], $0xffff  }
0x9c: {  	v7 =	vld.idx.msk [tilespmem:v7+s2+$0x0], $0xffff  }
0x9d: {  	v8 =	vld.idx.msk [tilespmem:v8+s2+$0x0], $0xffff  }
0x9e: {  	v9 =	vld.idx.msk [tilespmem:v62+s2+$0x0], $0xffff  }
0x9f: {  	v50 =	vld.idx.msk [tilespmem:v50+s2+$0x0], $0xffff  }
0xa0: {  	v10 =	vld.idx.msk [tilespmem:v63+s2+$0x0], $0xffff  }
0xa1: {  	v11 =	vld.idx.msk [tilespmem:v52+s2+$0x0], $0xffff  }
0xa2: {  	v12 =	vld.idx.msk [tilespmem:v53+s2+$0x0], $0xffff  }
0xa3: {  	v13 =	vld.idx.msk [tilespmem:v54+s2+$0x0], $0xffff  }
0xa4: {  	v14 =	vld.idx.msk [tilespmem:v55+s2+$0x0], $0xffff  }
0xa5: {  	v15 =	vld.idx.msk [tilespmem:v15+s2+$0x0], $0xffff  }
0xa6: {  	v16 =	vld.idx.msk [tilespmem:v16+s2+$0x0], $0xffff  }
0xa7: {  	v17 =	vld.idx.msk [tilespmem:v17+s2+$0x0], $0xffff  }
0xa8: {  	v18 =	vld.idx.msk [tilespmem:v18+s2+$0x0], $0xffff  }
0xa9: {  	v19 =	vld.idx.msk [tilespmem:v19+s2+$0x0], $0xffff  }
0xaa: {  	v20 =	vld.idx.msk [tilespmem:v20+s2+$0x0], $0xffff  }
0xab: {  	v21 =	vld.idx.msk [tilespmem:v21+s2+$0x0], $0xffff  }
0xac: {  	v22 =	vld.idx.msk [tilespmem:v22+s2+$0x0], $0xffff  }
0xad: {  	v23 =	vld.idx.msk [tilespmem:v23+s2+$0x0], $0xffff  }
0xae: {  	v24 =	vld.idx.msk [tilespmem:v24+s2+$0x0], $0xffff  }
0xaf: {  	v25 =	vld.idx.msk [tilespmem:v25+s2+$0x0], $0xffff  }
0xb0: {  	v26 =	vld.idx.msk [tilespmem:v26+s2+$0x0], $0xffff;
	v1 =	vsub.f32 v1, v2  }
0xb1: {  	s22 =	simm.s32 $0x75F0;
	v2 =	vld.idx.msk [tilespmem:v27+s2+$0x0], $0xffff;
	v4 =	vsub.f32 v4, v5  }
0xb2: {  	v56 =	vld.idx.msk [tilespmem:v33+s2+$0x0], $0xffff;
	[tilespmem:s22+$0xC0] =	vst v1;
	v1 =	vsub.f32 v6, v7  }
0xb3: {  	v57 =	vld.idx.msk [tilespmem:v34+s2+$0x0], $0xffff;
	[tilespmem:s22+$0xFFFFFF50] =	vst v4;
	v4 =	vsub.f32 v8, v9  }
0xb4: {  	v58 =	vld.idx.msk [tilespmem:v35+s2+$0x0], $0xffff;
	[tilespmem:s22+$0xFFFFFF60] =	vst v1;
	v1 =	vsub.f32 v50, v3  }
0xb5: {  	v59 =	vld.idx.msk [tilespmem:v36+s2+$0x0], $0xffff;
	[tilespmem:s22+$0xFFFFFF70] =	vst v4;
	v4 =	vsub.f32 v10, v11  }
0xb6: {  	v7 =	vld.idx.msk [tilespmem:v30+s2+$0x0], $0xffff;
	v2 =	vsub.f32 v26, v2;
	[tilespmem:s22+$0xFFFFFF40] =	vst v1  }
0xb7: {  	v3 =	vld.idx.msk [tilespmem:v31+s2+$0x0], $0xffff;
	v1 =	vsub.f32 v12, v13;
	[tilespmem:s22+$0xFFFFFF80] =	vst v4  }
0xb8: {  	v60 =	vld.idx.msk [tilespmem:v37+s2+$0x0], $0xffff;
	v4 =	vsub.f32 v14, v15;
	[tilespmem:s22+$0x0] =	vst v2  }
0xb9: {  	v5 =	vld.idx.msk [tilespmem:v28+s2+$0x0], $0xffff;
	[tilespmem:s22+$0xFFFFFF90] =	vst v1;
	v1 =	vsub.f32 v16, v17  }
0xba: {  	v6 =	vld.idx.msk [tilespmem:v29+s2+$0x0], $0xffff;
	[tilespmem:s22+$0xFFFFFFA0] =	vst v4;
	v4 =	vsub.f32 v18, v19  }
0xbb: {  	v61 =	vld.idx.msk [tilespmem:v38+s2+$0x0], $0xffff;
	[tilespmem:s22+$0xFFFFFFB0] =	vst v1;
	v1 =	vsub.f32 v20, v21  }
0xbc: {  	v8 =	vld.idx.msk [tilespmem:v32+s2+$0x0], $0xffff;
	v2 =	vsub.f32 v7, v3;
	[tilespmem:s22+$0xFFFFFFC0] =	vst v4  }
0xbd: {  	v62 =	vld.idx.msk [tilespmem:v39+s2+$0x0], $0xffff;
	[tilespmem:s22+$0xFFFFFFD0] =	vst v1;
	v1 =	vsub.f32 v24, v25  }
0xbe: {  	v63 =	vld.idx.msk [tilespmem:v40+s2+$0x0], $0xffff;
	v4 =	vsub.f32 v22, v23;
	[tilespmem:s22+$0x20] =	vst v2  }
0xbf: {  	v3 =	vld.idx.msk [tilespmem:v42+s2+$0x0], $0xffff;
	[tilespmem:s22+$0xFFFFFFF0] =	vst v1;
	v1 =	vsub.f32 v5, v6  }
0xc0: {  	v2 =	vsub.f32 v57, v58;
	[tilespmem:s22+$0xFFFFFFE0] =	vst v4;
	v5 =	vld.idx.msk [tilespmem:v41+s2+$0x0], $0xffff  }
0xc1: {  	v7 =	vld.idx.msk [tilespmem:v45+s2+$0x0], $0xffff;
	[tilespmem:s22+$0x10] =	vst v1;
	v1 =	vsub.f32 v8, v56  }
0xc2: {  	[tilespmem:s22+$0x40] =	vst v2;
	v2 =	vsub.f32 v61, v62;
	v8 =	vld.idx.msk [tilespmem:v43+s2+$0x0], $0xffff  }
0xc3: {  	v4 =	vld.idx.msk [tilespmem:v46+s2+$0x0], $0xffff;
	[tilespmem:s22+$0x30] =	vst v1;
	v1 =	vsub.f32 v59, v60  }
0xc4: {  	v6 =	vld.idx.msk [tilespmem:v44+s2+$0x0], $0xffff;
	[tilespmem:s22+$0x60] =	vst v2  }
0xc5: {  	v2 =	vld.idx.msk [tilespmem:v48+s2+$0x0], $0xffff;
	[tilespmem:s22+$0x50] =	vst v1;
	v1 =	vsub.f32 v63, v5  }
0xc6: {  	v5 =	vld.idx.msk [tilespmem:v47+s2+$0x0], $0xffff  }
0xc7: {  	s23 =	simm.s32 $0x0;
	s24 =	simm.s32 $0x2960;
	v3 =	vsub.f32 v3, v8;
	[tilespmem:s22+$0x70] =	vst v1;
	v1 =	vld.idx.msk [tilespmem:v49+s2+$0x0], $0xffff  }
.LBB2_4:
0xc8: {  	v8 =	vld [tilespmem:s24+$0xC0];
	s21 =	sadd.s32 $0x190, s21  }
0xc9: {  	s23 =	sadd.s32 $0x19, s23;
	v9 =	vld [tilespmem:s21+$0xC0];
	[tilespmem:s22+$0x80] =	vst v3;
	v3 =	vsub.f32 v6, v7  }
0xca: {  	p1 =	slt.u32 s23, $0x258;
	v12 =	vld [tilespmem:s21+$0xFFFFFF40]  }
0xcb: {  	v13 =	vld [tilespmem:s24+$0xFFFFFF50];
	[tilespmem:s22+$0x90] =	vst v3;
	v3 =	vsub.f32 v4, v5  }
0xcc: {  	v14 =	vld [tilespmem:s21+$0xFFFFFF50]  }
0xcd: {  	v1 =	vsub.f32 v2, v1;
	v15 =	vld [tilespmem:s24+$0xFFFFFF60];
	[tilespmem:s22+$0xA0] =	vst v3  }
0xce: {  	v16 =	vld [tilespmem:s21+$0xFFFFFF60]  }
0xcf: {  	v17 =	vld [tilespmem:s24+$0xFFFFFF70];
	[tilespmem:s22+$0xB0] =	vst v1  }
0xd0: {  	v1 =	vld.idx.msk [tilespmem:v8+s2+$0x0], $0xffff  }
0xd1: {  	v2 =	vld.idx.msk [tilespmem:v9+s2+$0x0], $0xffff  }
0xd2: {  	v18 =	vld [tilespmem:s21+$0xFFFFFF70]  }
0xd3: {  	v19 =	vld [tilespmem:s24+$0xFFFFFF80]  }
0xd4: {  	v20 =	vld [tilespmem:s21+$0xFFFFFF80]  }
0xd5: {  	v21 =	vld [tilespmem:s24+$0xFFFFFF90]  }
0xd6: {  	v22 =	vld [tilespmem:s21+$0xFFFFFF90]  }
0xd7: {  	v1 =	vsub.f32 v1, v2;
	v23 =	vld [tilespmem:s24+$0xFFFFFFA0]  }
0xd8: {  	s22 =	sadd.s32 $0x190, s22;
	v24 =	vld [tilespmem:s21+$0xFFFFFFA0]  }
0xd9: {  	v25 =	vld [tilespmem:s24+$0xFFFFFFB0];
	[tilespmem:s22+$0xC0] =	vst v1  }
0xda: {  	v26 =	vld [tilespmem:s21+$0xFFFFFFB0]  }
0xdb: {  	v27 =	vld [tilespmem:s24+$0xFFFFFFC0]  }
0xdc: {  	v28 =	vld [tilespmem:s21+$0xFFFFFFC0]  }
0xdd: {  	v29 =	vld [tilespmem:s24+$0xFFFFFFD0]  }
0xde: {  	v30 =	vld [tilespmem:s21+$0xFFFFFFD0]  }
0xdf: {  	v31 =	vld [tilespmem:s24+$0xFFFFFFE0]  }
0xe0: {  	v32 =	vld [tilespmem:s21+$0xFFFFFFE0]  }
0xe1: {  	v33 =	vld [tilespmem:s24+$0xFFFFFFF0]  }
0xe2: {  	v34 =	vld [tilespmem:s21+$0xFFFFFFF0]  }
0xe3: {  	v35 =	vld [tilespmem:s24+$0x0]  }
0xe4: {  	v36 =	vld [tilespmem:s21+$0x0]  }
0xe5: {  	v37 =	vld [tilespmem:s24+$0x10]  }
0xe6: {  	v38 =	vld [tilespmem:s21+$0x10]  }
0xe7: {  	v39 =	vld [tilespmem:s24+$0x20]  }
0xe8: {  	v40 =	vld [tilespmem:s21+$0x20]  }
0xe9: {  	v41 =	vld [tilespmem:s24+$0x30]  }
0xea: {  	v42 =	vld [tilespmem:s21+$0x30]  }
0xeb: {  	v43 =	vld [tilespmem:s24+$0x40]  }
0xec: {  	v44 =	vld [tilespmem:s21+$0x40]  }
0xed: {  	v45 =	vld [tilespmem:s24+$0x50]  }
0xee: {  	v46 =	vld [tilespmem:s21+$0x50]  }
0xef: {  	v47 =	vld [tilespmem:s24+$0x60]  }
0xf0: {  	v10 =	vld [tilespmem:s21+$0x60]  }
0xf1: {  	v11 =	vld [tilespmem:s24+$0x70]  }
0xf2: {  	v8 =	vld [tilespmem:s21+$0x70]  }
0xf3: {  	v9 =	vld [tilespmem:s24+$0x80]  }
0xf4: {  	v6 =	vld [tilespmem:s21+$0x80]  }
0xf5: {  	v7 =	vld [tilespmem:s24+$0x90]  }
0xf6: {  	v4 =	vld [tilespmem:s21+$0x90]  }
0xf7: {  	v5 =	vld [tilespmem:s24+$0xA0]  }
0xf8: {  	v2 =	vld [tilespmem:s21+$0xA0]  }
0xf9: {  	v3 =	vld [tilespmem:s24+$0xB0]  }
0xfa: {  	v1 =	vld [tilespmem:s21+$0xB0]  }
0xfb: {  	v48 =	vld [tilespmem:s24+$0xFFFFFF40]  }
0xfc: {  	v12 =	vld.idx.msk [tilespmem:v12+s2+$0x0], $0xffff  }
0xfd: {  	v13 =	vld.idx.msk [tilespmem:v13+s2+$0x0], $0xffff  }
0xfe: {  	v14 =	vld.idx.msk [tilespmem:v14+s2+$0x0], $0xffff  }
0xff: {  	v15 =	vld.idx.msk [tilespmem:v15+s2+$0x0], $0xffff  }
0x100: {  	v16 =	vld.idx.msk [tilespmem:v16+s2+$0x0], $0xffff  }
0x101: {  	v17 =	vld.idx.msk [tilespmem:v17+s2+$0x0], $0xffff  }
0x102: {  	v18 =	vld.idx.msk [tilespmem:v18+s2+$0x0], $0xffff  }
0x103: {  	v48 =	vld.idx.msk [tilespmem:v48+s2+$0x0], $0xffff  }
0x104: {  	v13 =	vsub.f32 v13, v14;
	v14 =	vld.idx.msk [tilespmem:v19+s2+$0x0], $0xffff  }
0x105: {  	v19 =	vld.idx.msk [tilespmem:v20+s2+$0x0], $0xffff  }
0x106: {  	[tilespmem:s22+$0xFFFFFF50] =	vst v13;
	v13 =	vsub.f32 v15, v16;
	v15 =	vld.idx.msk [tilespmem:v21+s2+$0x0], $0xffff  }
0x107: {  	v16 =	vld.idx.msk [tilespmem:v22+s2+$0x0], $0xffff  }
0x108: {  	[tilespmem:s22+$0xFFFFFF60] =	vst v13;
	v13 =	vsub.f32 v17, v18;
	v17 =	vld.idx.msk [tilespmem:v23+s2+$0x0], $0xffff  }
0x109: {  	v12 =	vsub.f32 v48, v12;
	v18 =	vld.idx.msk [tilespmem:v24+s2+$0x0], $0xffff  }
0x10a: {  	[tilespmem:s22+$0xFFFFFF70] =	vst v13;
	v13 =	vld.idx.msk [tilespmem:v25+s2+$0x0], $0xffff  }
0x10b: {  	[tilespmem:s22+$0xFFFFFF40] =	vst v12;
	v12 =	vsub.f32 v14, v19;
	v14 =	vld.idx.msk [tilespmem:v26+s2+$0x0], $0xffff  }
0x10c: {  	v19 =	vld.idx.msk [tilespmem:v27+s2+$0x0], $0xffff  }
0x10d: {  	[tilespmem:s22+$0xFFFFFF80] =	vst v12;
	v12 =	vsub.f32 v15, v16;
	v15 =	vld.idx.msk [tilespmem:v28+s2+$0x0], $0xffff  }
0x10e: {  	v16 =	vld.idx.msk [tilespmem:v29+s2+$0x0], $0xffff  }
0x10f: {  	[tilespmem:s22+$0xFFFFFF90] =	vst v12;
	v12 =	vsub.f32 v17, v18;
	v17 =	vld.idx.msk [tilespmem:v30+s2+$0x0], $0xffff  }
0x110: {  	v18 =	vld.idx.msk [tilespmem:v31+s2+$0x0], $0xffff  }
0x111: {  	[tilespmem:s22+$0xFFFFFFA0] =	vst v12;
	v12 =	vsub.f32 v13, v14;
	v13 =	vld.idx.msk [tilespmem:v32+s2+$0x0], $0xffff  }
0x112: {  	v14 =	vld.idx.msk [tilespmem:v33+s2+$0x0], $0xffff  }
0x113: {  	[tilespmem:s22+$0xFFFFFFB0] =	vst v12;
	v12 =	vsub.f32 v19, v15;
	v15 =	vld.idx.msk [tilespmem:v34+s2+$0x0], $0xffff  }
0x114: {  	v19 =	vld.idx.msk [tilespmem:v35+s2+$0x0], $0xffff  }
0x115: {  	[tilespmem:s22+$0xFFFFFFC0] =	vst v12;
	v12 =	vsub.f32 v16, v17;
	v16 =	vld.idx.msk [tilespmem:v36+s2+$0x0], $0xffff  }
0x116: {  	v17 =	vld.idx.msk [tilespmem:v37+s2+$0x0], $0xffff  }
0x117: {  	[tilespmem:s22+$0xFFFFFFD0] =	vst v12;
	v12 =	vsub.f32 v18, v13;
	v13 =	vld.idx.msk [tilespmem:v38+s2+$0x0], $0xffff  }
0x118: {  	v18 =	vld.idx.msk [tilespmem:v39+s2+$0x0], $0xffff  }
0x119: {  	[tilespmem:s22+$0xFFFFFFE0] =	vst v12;
	v12 =	vsub.f32 v14, v15;
	v14 =	vld.idx.msk [tilespmem:v40+s2+$0x0], $0xffff  }
0x11a: {  	v15 =	vld.idx.msk [tilespmem:v41+s2+$0x0], $0xffff  }
0x11b: {  	[tilespmem:s22+$0xFFFFFFF0] =	vst v12;
	v12 =	vsub.f32 v19, v16;
	v16 =	vld.idx.msk [tilespmem:v42+s2+$0x0], $0xffff  }
0x11c: {  	v19 =	vld.idx.msk [tilespmem:v43+s2+$0x0], $0xffff  }
0x11d: {  	[tilespmem:s22+$0x0] =	vst v12;
	v12 =	vsub.f32 v17, v13;
	v13 =	vld.idx.msk [tilespmem:v44+s2+$0x0], $0xffff  }
0x11e: {  	v17 =	vld.idx.msk [tilespmem:v45+s2+$0x0], $0xffff  }
0x11f: {  	[tilespmem:s22+$0x10] =	vst v12;
	v12 =	vsub.f32 v18, v14;
	v14 =	vld.idx.msk [tilespmem:v46+s2+$0x0], $0xffff  }
0x120: {  	v18 =	vld.idx.msk [tilespmem:v47+s2+$0x0], $0xffff  }
0x121: {  	[tilespmem:s22+$0x20] =	vst v12;
	v12 =	vsub.f32 v15, v16;
	v10 =	vld.idx.msk [tilespmem:v10+s2+$0x0], $0xffff  }
0x122: {  	v11 =	vld.idx.msk [tilespmem:v11+s2+$0x0], $0xffff  }
0x123: {  	[tilespmem:s22+$0x30] =	vst v12;
	v12 =	vsub.f32 v19, v13;
	v8 =	vld.idx.msk [tilespmem:v8+s2+$0x0], $0xffff  }
0x124: {  	v9 =	vld.idx.msk [tilespmem:v9+s2+$0x0], $0xffff  }
0x125: {  	[tilespmem:s22+$0x40] =	vst v12;
	v12 =	vsub.f32 v17, v14;
	v13 =	vld.idx.msk [tilespmem:v6+s2+$0x0], $0xffff  }
0x126: {  	v6 =	vld.idx.msk [tilespmem:v7+s2+$0x0], $0xffff  }
.Ltmp1:
0x127: {  	v10 =	vsub.f32 v18, v10;
	[tilespmem:s22+$0x50] =	vst v12;
	v7 =	vld.idx.msk [tilespmem:v4+s2+$0x0], $0xffff;
	(pc) =	sbr.rel @p1 .LBB2_4-.Ltmp1, $4  }
0x128: {  	v4 =	vld.idx.msk [tilespmem:v5+s2+$0x0], $0xffff  }
0x129: {  	v8 =	vsub.f32 v11, v8;
	[tilespmem:s22+$0x60] =	vst v10;
	v5 =	vld.idx.msk [tilespmem:v2+s2+$0x0], $0xffff  }
0x12a: {  	v2 =	vld.idx.msk [tilespmem:v3+s2+$0x0], $0xffff  }
0x12b: {  	s24 =	sadd.s32 $0x190, s24;
	v3 =	vsub.f32 v9, v13;
	[tilespmem:s22+$0x70] =	vst v8;
	v1 =	vld.idx.msk [tilespmem:v1+s2+$0x0], $0xffff  }
0x12c: {  	_ =	sdelay $0x1  }
0x12d: {  	v6 =	vsub.f32 v6, v7  }
0x12e: {  	[tilespmem:s22+$0x80] =	vst v3;
	v3 =	vsub.f32 v4, v5  }
0x12f: {  	s20 =	sadd.s32 $0x1, s20;
	[tilespmem:s22+$0x90] =	vst v6;
	v1 =	vsub.f32 v2, v1  }
0x130: {  	p1 =	sne.s32 s20, s10;
	[tilespmem:s22+$0xA0] =	vst v3  }
.Ltmp2:
0x131: {  	[tilespmem:s22+$0xB0] =	vst v1;
	(pc) =	sbr.rel @p1 .LBB2_1-.Ltmp2, $4  }
0x132: {  	[hbm4b:s9+s2] =	stream.linear.scatter [tilespmem:s19], [sflag:$0x2], $0x2710, $0x38;
	[tilespmem:$0xB538] =	vst v63  }
0x133: {  	_ =	swait.ge [sflag:s18], $0x2710  }
0x134: {  	[sflag:s18] =	ssyncset.done $0x0  }
0x135: {  	[sflag:s18] =	ssyncadd.s32 $0xFFFFD8F0  }
0x136: {  	_ =	sfence.sel $0x180000  }
0x137: {  	[bflag:$0x0] =	sbarrier.arrive $0xFFFF  }
0x138: {  	_ =	strace $0x90000047  }
0x139: {  	s0 =	sadd.s32 @!p0 $0x100000, s0;
	[bflag:$0x2] =	sbarrier.arrive $0xFFFF  }
0x13a: {  	[sflag:s0] =	ssyncadd.tile.s32 @!p0 $0x1;
	_ =	shalt  }
.Lfunc_end2:
_tile_overlayer_lowered:
.L_overlay_start_2:
0x13b: {  	(tag) =	ssettag $0x2  }
0x13c: {  	s0 =	rddreg [dreg:$0x0];
	s2 =	stileid.u32  }
0x13d: {  	s1 =	rddreg [dreg:$0x1];
	p0 =	sne.s32 s2, $0x0  }
0x13e: {  	s3 =	rddreg [dreg:$0x2];
	[bflag:$0x3] =	sbarrier.arrive $0xFFFF;
	s2 =	simm.s32 @!p0 $0x1C02  }
0x13f: {  	[timem:s3], [sflag:s2] =	dma.local @!p0 [hbm:s0], s1  }
0x140: {  	s0 =	simm.s32 @!p0 $0x2  }
0x141: {  	_ =	swait.ge @!p0 [sflag:s0], s1  }
0x142: {  	s1 =	ssub.s32 @!p0 $0x0, s1;
	[sflag:s0] =	ssyncset.done @!p0 $0x0  }
0x143: {  	[sflag:s0] =	ssyncadd.s32 @!p0 s1  }
0x144: {  	[bflag:$0x3] =	sbarrier.arrive $0xFFFF  }
0x145: {  	_ =	shalt  }

// kernel: _sc_call.7.cloned.1.call-start
scs
__scs_entry_jumppad:
0x0: {  	(pc) =	sbr.rel $0x88, $3  }
0x1: {  	(tag) =	ssettag $0x0;
	lr =	simm.s32 $0x1  }
0x2: {  	[smem:$0x3F9D] =	sst lr;
	_ =	strace $0xD0000000  }
0x3: {  	_ = 	snop  }
0x4: {  	_ = 	snop  }
0x5: {  	_ = 	snop  }
0x6: {  	_ = 	snop  }
0x7: {  	_ = 	snop  }
__scs_overlays_trampoline_lowered:
0x8: {  	[smem:$0x3FAC] =	sst s0  }
0x9: {  	[smem:$0x3FAD] =	sst s1  }
0xa: {  	[smem:$0x3FAE] =	sst s2  }
0xb: {  	[smem:$0x3FAF] =	sst s3  }
0xc: {  	[smem:$0x3FB0] =	sst s4  }
0xd: {  	[smem:$0x3FB1] =	sst s5  }
0xe: {  	[smem:$0x3FB2] =	sst s6  }
0xf: {  	[smem:$0x3FB3] =	sst s7  }
0x10: {  	[smem:$0x3FB4] =	sst s8  }
0x11: {  	[smem:$0x3FB5] =	sst s9;
	s0 =	simm.s32 @!p0 $0x0  }
0x12: {  	s1 =	sld [smem:$0x3F9B];
	s0 =	simm.s32 @p0 $0x1  }
0x13: {  	[smem:$0x3FB6] =	sst s0;
	s0 =	simm.s32 @!p1 $0x0  }
0x14: {  	s2 =	sld [smem:$0x3F9A];
	s0 =	simm.s32 @p1 $0x1  }
0x15: {  	[smem:$0x3FB7] =	sst s0;
	s0 =	simm.s32 @!p2 $0x0  }
0x16: {  	s3 =	sld [smem:$0x3FDB];
	s0 =	simm.s32 @p2 $0x1  }
0x17: {  	s4 =	simm.s32 $0x1BF5;
	[smem:$0x3FB9] =	sst s0  }
0x18: {  	s0 =	sld [smem:$0x3F9C];
	_ =	swait.ge [sflag:s4], $0x0  }
0x19: {  	s7 =	sld [smem:$0x3F9D]  }
0x1a: {  	s8 =	sadd.s32 $0xFFFFE003, lr  }
0x1b: {  	s9 =	sadd.s32 $0xFFFFFEF7, lr;
	s5 =	simm.s32 $0xFFFFFFFF;
	p2 =	slt.u32 s8, $0xFFFFF086  }
0x1c: {  	p1 =	slt.u32 s9, $0xF7A;
	s5 =	simm.s32 @!p2 $0x0  }
0x1d: {  	s5 =	simm.s32 @p1 $0x1;
	p0 =	seq.s32 s7, s2  }
0x1e: {  	s7 =	smul.u32 @!p0 $0xF7A, s2;
	p2 =	seq.s32 @!p0 s5, $0x0  }
0x1f: {  	s9 =	smul.u32 $0xF7A, s1;
	s8 =	simm.s32 @!p0 $0x1BF5;
	p2 =	por !p2, p0  }
0x20: {  	[sflag:s8] =	ssyncset.s32 @!p0 $0xFFFFF086;
	s6 =	sadd.s32 @!p0 s3, s7;
	s7 =	simm.s32 @!p0 $0x108  }
0x21: {  	s3 =	sadd.s32 s3, s9;
	s6 =	sadd.s32 @!p0 $0x88, s6;
	s7 =	simm.s32 @p2 $0x1082  }
0x22: {  	[simem:s7], [sflag:s8] =	dma.local @!p0 [hbm:s6], $0xF7A  }
0x23: {  	s9 =	sor.u32 $0xD0000000, s2;
	s6 =	simm.s32 $0x108;
	_ =	swait.ge @!p0 [sflag:s8], $0x0  }
0x24: {  	s3 =	sadd.s32 $0x88, s3;
	s6 =	simm.s32 @!p1 $0x1082;
	[sflag:s4] =	ssyncset.s32 $0xFFFFF086  }
0x25: {  	[simem:s6], [sflag:s4] =	dma.local [hbm:s3], $0xF7A  }
0x26: {  	[smem:$0x3F9D] =	sst s1;
	(tag) =	ssettag s2;
	_ =	strace s9  }
0x27: {  	s1 =	sld [smem:$0x3FAD]  }
0x28: {  	s2 =	sld [smem:$0x3FAE]  }
0x29: {  	s4 =	sld [smem:$0x3FB0]  }
0x2a: {  	p0 =	seq.s32 s5, $0x0;
	s5 =	sld [smem:$0x3FB1]  }
0x2b: {  	s6 =	sld [smem:$0x3FB2]  }
0x2c: {  	s7 =	sld [smem:$0x3FB3]  }
0x2d: {  	s3 =	simm.s32 $0x108;
	s8 =	sld [smem:$0x3FB4]  }
0x2e: {  	s3 =	simm.s32 @!p0 $0x1082;
	s9 =	sld [smem:$0x3FB5]  }
0x2f: {  	lr =	sadd.s32 s0, s3;
	s0 =	sld [smem:$0x3FAC]  }
0x30: {  	s3 =	sld [smem:$0x3FAF]  }
0x31: {  	[smem:$0x3FB8] =	sst s10  }
0x32: {  	s10 =	sld [smem:$0x3FB6];
	_ =	sdelay $0x3  }
0x33: {  	p0 =	seq.s32 s10, $0x1;
	s10 =	sld [smem:$0x3FB8];
	_ =	sdelay $0x3  }
0x34: {  	[smem:$0x3FB8] =	sst s10  }
0x35: {  	s10 =	sld [smem:$0x3FB7];
	_ =	sdelay $0x3  }
0x36: {  	p1 =	seq.s32 s10, $0x1;
	s10 =	sld [smem:$0x3FB8];
	_ =	sdelay $0x3  }
0x37: {  	[smem:$0x3FB8] =	sst s10  }
0x38: {  	s10 =	sld [smem:$0x3FB9]  }
0x39: {  	_ = 	snop;
	(pc) =	sbr.ind lr, $3  }
0x3a: {  	_ = 	snop  }
0x3b: {  	_ = 	snop  }
0x3c: {  	p2 =	seq.s32 s10, $0x1;
	s10 =	sld [smem:$0x3FB8]  }
0x3d: {  	_ =	shalt  }
0x3e: {  	_ =	shalt  }
0x3f: {  	_ =	shalt  }
0x40: {  	_ =	shalt  }
0x41: {  	_ =	shalt  }
0x42: {  	_ =	shalt  }
0x43: {  	_ =	shalt  }
0x44: {  	_ =	shalt  }
0x45: {  	_ =	shalt  }
0x46: {  	_ =	shalt  }
0x47: {  	_ =	shalt  }
0x48: {  	_ =	shalt  }
0x49: {  	_ =	shalt  }
0x4a: {  	_ =	shalt  }
0x4b: {  	_ =	shalt  }
0x4c: {  	_ =	shalt  }
0x4d: {  	_ =	shalt  }
0x4e: {  	_ =	shalt  }
0x4f: {  	_ =	shalt  }
0x50: {  	_ =	shalt  }
0x51: {  	_ =	shalt  }
0x52: {  	_ =	shalt  }
0x53: {  	_ =	shalt  }
0x54: {  	_ =	shalt  }
0x55: {  	_ =	shalt  }
0x56: {  	_ =	shalt  }
0x57: {  	_ =	shalt  }
0x58: {  	_ =	shalt  }
0x59: {  	_ =	shalt  }
0x5a: {  	_ =	shalt  }
0x5b: {  	_ =	shalt  }
0x5c: {  	_ =	shalt  }
0x5d: {  	_ =	shalt  }
0x5e: {  	_ =	shalt  }
0x5f: {  	_ =	shalt  }
0x60: {  	_ =	shalt  }
0x61: {  	_ =	shalt  }
0x62: {  	_ =	shalt  }
0x63: {  	_ =	shalt  }
0x64: {  	_ =	shalt  }
0x65: {  	_ =	shalt  }
0x66: {  	_ =	shalt  }
0x67: {  	_ =	shalt  }
0x68: {  	_ =	shalt  }
0x69: {  	_ =	shalt  }
0x6a: {  	_ =	shalt  }
0x6b: {  	_ =	shalt  }
0x6c: {  	_ =	shalt  }
0x6d: {  	_ =	shalt  }
0x6e: {  	_ =	shalt  }
0x6f: {  	_ =	shalt  }
0x70: {  	_ =	shalt  }
0x71: {  	_ =	shalt  }
0x72: {  	_ =	shalt  }
0x73: {  	_ =	shalt  }
0x74: {  	_ =	shalt  }
0x75: {  	_ =	shalt  }
0x76: {  	_ =	shalt  }
0x77: {  	_ =	shalt  }
0x78: {  	_ =	shalt  }
0x79: {  	_ =	shalt  }
0x7a: {  	_ =	shalt  }
0x7b: {  	_ =	shalt  }
0x7c: {  	_ =	shalt  }
0x7d: {  	_ =	shalt  }
0x7e: {  	_ =	shalt  }
0x7f: {  	_ =	shalt  }
0x80: {  	_ =	shalt  }
0x81: {  	_ =	shalt  }
0x82: {  	_ =	shalt  }
0x83: {  	_ =	shalt  }
0x84: {  	_ =	shalt  }
0x85: {  	_ =	shalt  }
0x86: {  	_ =	shalt  }
0x87: {  	_ =	shalt  }
.Lfunc_end0:
.L_simem_size_0:
called_computation.1_lowered:
.L_overlay_start_0:
0x88: {  	s2 =	sld [smem:$0x3FD9]  }
0x89: {  	s3 =	sld [smem:$0x3FFE];
	_ =	sdelay $0x1  }
0x8a: {  	s1 =	srdreg.scid  }
0x8b: {  	s0 =	sand.u32 $0x1, s1  }
0x8c: {  	s17 =	sshll.u32 s0, $0xA;
	s2 =	sadd.s32 s3, s2  }
0x8d: {  	s2 =	sadd.s32 s2, s17  }
0x8e: {  	[smem:$0x3FC4] =	sst s2  }
0x8f: {  	_ = 	snop  }
0x90: {  	s2 =	sld [smem:$0x3FC7]  }
0x91: {  	s18 =	sld [smem:$0x3FC6]  }
0x92: {  	s4 =	sld [smem:$0x3FD0];
	(tm) =	ssettm $0x1  }
0x93: {  	s5 =	sld [smem:$0x3FFB];
	_ =	sdelay $0x3  }
0x94: {  	_ =	strace s5  }
0x95: {  	s5 =	sld [smem:$0x3FFC];
	_ =	sdelay $0x3  }
0x96: {  	_ =	strace s5  }
0x97: {  	s5 =	sld [smem:$0x3FFD];
	_ =	sdelay $0x3  }
0x98: {  	_ =	strace s5  }
0x99: {  	_ =	strace $0x8FFFFFFF  }
0x9a: {  	s19 =	sld [smem:$0x3FDB];
	_ =	sdelay $0x1  }
0x9b: {  	s6 =	simm.s32 $_scs_section_size  }
0x9c: {  	s7 =	simm.s32 $_size__tile_overlayer_lowered;
	s8 =	simm.s32 $_tile_overlayer_lowered  }
0x9d: {  	s22 =	simm.s32 $0x1BFF;
	s21 =	sshll.u32 s8, $0x1;
	s5 =	sadd.s32 s6, s19  }
0x9e: {  	s9 =	simm.s32 $0x0;
	s20 =	sshll.u32 s7, $0x1;
	s7 =	sadd.s32 s21, s5  }
0x9f: {  	[timem:s9], [sflag:s22] =	dma.local [hbm:s7], s20  }
0xa0: {  	_ =	swait.ge [sflag:s22], s20  }
0xa1: {  	s6 =	ssub.s32 $0x0, s20;
	[sflag:s22] =	ssyncset.done $0x0  }
0xa2: {  	[sflag:s22] =	ssyncadd.s32 s6;
	_ =	sdelay $0x1  }
0xa3: {  	s23 =	simm.s32 $0x1B8B  }
0xa4: {  	_ =	swait.ge [sflag:s23], $0x1  }
0xa5: {  	[sflag:s23] =	ssyncset.done $0x0  }
0xa6: {  	s25 =	simm.s32 $0x1B8E;
	s24 =	sld [smem:$0x3FFE];
	[sflag:s23] =	ssyncadd.s32 $0xFFFFFFFF  }
0xa7: {  	s26 =	simm.s32 $execute0_lowered;
	[smem:$0x3FD2] =	sst s25  }
0xa8: {  	s7 =	sshll.u32 s26, $0x1;
	_ =	strace $0x80000049;
	[dreg:$0x1] =	wrdreg $0xFFFFFFFF  }
0xa9: {  	s28 =	simm.s32 $_size_execute0_lowered;
	s5 =	sadd.s32 s5, s7;
	[dreg:$0x0] =	wrdreg $0x0  }
0xaa: {  	s7 =	sshll.u32 s28, $0x1;
	[dreg:$0x2] =	wrdreg s5  }
0xab: {  	[dreg:$0x3] =	wrdreg s7  }
0xac: {  	[dreg:$0x4] =	wrdreg $0xC0  }
0xad: {  	_ =	task [dreg:s9], $0x5FFFF  }
0xae: {  	[dreg:$0x1] =	wrdreg $0xFFFFFFFF  }
0xaf: {  	[dreg:$0x0] =	wrdreg $0x60  }
0xb0: {  	[dreg:$0x2] =	wrdreg s24  }
0xb1: {  	[dreg:$0x3] =	wrdreg s2  }
0xb2: {  	[dreg:$0x4] =	wrdreg s18  }
0xb3: {  	[dreg:$0x5] =	wrdreg s4  }
0xb4: {  	[dreg:$0x6] =	wrdreg $0xC5300  }
0xb5: {  	[dreg:$0x7] =	wrdreg $0x9  }
0xb6: {  	_ =	task.clear_ibuf [dreg:s9], $0x8FFFF;
	_ =	strace $0x90000049  }
0xb7: {  	s29 =	simm.s32 $0x9;
	_ =	strace $0x8000004B  }
0xb8: {  	_ =	swait.ge [sflag:s29], $0x1  }
0xb9: {  	[sflag:s29] =	ssyncadd.s32 $0xFFFFFFFF  }
0xba: {  	_ =	strace $0x9000004B  }
0xbb: {  	_ =	sfence  }
0xbc: {  	s30 =	sld [smem:$0x0];
	_ =	sdelay $0x2  }
0xbd: {  	s31 =	sshll.u32 s1, $0xD;
	s1 =	sshrl.u32 s1, $0x2  }
0xbe: {  	s3 =	sand.u32 $0x4000, s31;
	s1 =	sadd.s32 s1, s30  }
0xbf: {  	s0 =	sor.u32 s3, s0;
	s1 =	sshll.u32 s1, $0x11  }
0xc0: {  	s0 =	sor.u32 s1, s0  }
0xc1: {  	s0 =	sadd.s32 $0x8F2B, s0  }
0xc2: {  	[sflag:s0] =	ssyncadd.remote.s32 $0x1  }
0xc3: {  	_ =	sfence.sel $0xFFFF  }
0xc4: {  	[dreg:$0x0] =	wrdreg $0xFFFFFFFF;
	(pc) =	sbr.abs _section_cstart, $3  }
0xc5: {  	[dreg:$0x1] =	wrdreg $0xFFFFFFFF  }
0xc6: {  	_ =	task.clear_ibuf [dreg:s9], $0x2FFFF;
	_ =	strace $0x9FFFFFFF  }
0xc7: {  	(tm) =	ssettm $0x7FFFFFFF  }
tec
execute0_lowered:
.L_overlay_start_1:
0x0: {  	(tag) =	ssettag $0x1  }
0x1: {  	s0 =	rddreg [dreg:$0x0]  }
0x2: {  	s1 =	rddreg [dreg:$0x1]  }
0x3: {  	s5 =	rddreg [dreg:$0x2]  }
0x4: {  	s2 =	srdreg.scid;
	s23 =	rddreg [dreg:$0x3]  }
0x5: {  	s7 =	rddreg [dreg:$0x4];
	s9 =	stileid.u32;
	s28 =	simm.s32 $0x1  }
0x6: {  	s29 =	simm.s32 $0x7530;
	s30 =	simm.s32 $0x2;
	s31 =	simm.s32 $0x0  }
0x7: {  	s15 =	sand.u32 $0x1, s2;
	s2 =	simm.s32 $0x0;
	s8 =	smul.u32 $0xA000, s9  }
0x8: {  	s20 =	smul.u32 $0x280, s9;
	s3 =	sshll.u32 s15, $0x4;
	s24 =	ssub.s32 $0x2, s15  }
0x9: {  	s26 =	smul.u32 $0x2800, s15;
	s3 =	sor.u32 s9, s3;
	s4 =	sshrl.u32 s24, $0x1  }
0xa: {  	[smem:$0x7FF] =	sst s2;
	s6 =	smul.u32 $0x4E2, s3;
	s24 =	ssub.s32 s24, s4  }
0xb: {  	_ =	strace $0x8000004A;
	s25 =	sshrl.u32 s8, $0x2;
	s24 =	smax.u32 s24, $0x1  }
0xc: {  	s0 =	sadd.s32 s6, s0;
	s4 =	sadd.s32 s1, s6;
	s5 =	sadd.s32 s5, s6  }
0xd: {  	s6 =	sadd.s32 s20, s7;
	s7 =	sadd.s32 s25, s7;
	s3 =	sadd.s32 $0x800, s0  }
0xe: {  	s8 =	sadd.s32 $0x2800, s6;
	s9 =	sadd.s32 $0x5000, s6;
	s10 =	sadd.s32 $0x7800, s6  }
0xf: {  	s11 =	sadd.s32 $0xA000, s6;
	s12 =	sadd.s32 $0xC800, s6;
	s13 =	sadd.s32 $0xF000, s6  }
0x10: {  	s14 =	sadd.s32 $0x11800, s6;
	s15 =	sadd.s32 $0x14000, s6;
	s16 =	sadd.s32 $0x16800, s6  }
0x11: {  	s17 =	sadd.s32 $0x19000, s6;
	s18 =	sadd.s32 $0x1B800, s6;
	s0 =	sadd.s32 s20, s26  }
0x12: {  	s19 =	sadd.s32 $0x1E000, s6;
	s20 =	sadd.s32 $0x20800, s6;
	s0 =	sshrl.u32 s0, $0x3  }
0x13: {  	v0 =	vimm.f32 $0.0e+00;
	s21 =	sadd.s32 $0x23000, s6;
	s22 =	sadd.s32 $0x25800, s6;
	s23 =	sadd.s32 s23, s0  }
.LBB2_1:
0x14: {  	[tilespmem:s2], [sflag:$0x1] =	stream.linear.gather [hbm4b:s3+s2], $0x2710, $0x38;
	[tilespmem:$0xED30] =	vst v63  }
0x15: {  	s0 =	simm.s32 $0x2710  }
0x16: {  	[tilespmem:s0], [sflag:$0x1] =	stream.linear.gather [hbm4b:s4+s2], $0x2710, $0x38;
	[tilespmem:$0xED30] =	vst v63  }
0x17: {  	s26 =	simm.s32 $0x4E20;
	s0 =	simm.s32 $0x7570  }
0x18: {  	[tilespmem:s26], [sflag:$0x1] =	stream.linear.gather [hbm4b:s5+s2], $0x2710, $0x38;
	[tilespmem:$0xED30] =	vst v63  }
0x19: {  	[tilespmem:s0+$0xFFFFFFC0] =	vst v0  }
0x1a: {  	[tilespmem:s0+$0x30] =	vst v0  }
0x1b: {  	[tilespmem:s0+$0x20] =	vst v0  }
0x1c: {  	[tilespmem:s0+$0x10] =	vst v0  }
0x1d: {  	[tilespmem:s0+$0x0] =	vst v0  }
0x1e: {  	[tilespmem:s0+$0xFFFFFFF0] =	vst v0  }
0x1f: {  	s1 =	simm.s32 $0x0;
	[tilespmem:s0+$0xFFFFFFE0] =	vst v0  }
.LBB2_2:
0x20: {  	s1 =	sadd.s32 $0x8, s1;
	[tilespmem:s0+$0xFFFFFFD0] =	vst v0;
	s0 =	sadd.s32 $0x80, s0  }
0x21: {  	[tilespmem:s0+$0xFFFFFFC0] =	vst v0;
	p0 =	slt.u32 s1, $0x278  }
0x22: {  	[tilespmem:s0+$0x30] =	vst v0  }
.Ltmp0:
0x23: {  	[tilespmem:s0+$0x20] =	vst v0;
	(pc) =	sbr.rel @p0 .LBB2_2-.Ltmp0, $4  }
0x24: {  	[tilespmem:s0+$0x10] =	vst v0  }
0x25: {  	[tilespmem:s0+$0x0] =	vst v0  }
0x26: {  	[tilespmem:s0+$0xFFFFFFF0] =	vst v0  }
0x27: {  	[tilespmem:s0+$0xFFFFFFE0] =	vst v0  }
0x28: {  	[tilespmem:s0+$0xFFFFFFD0] =	vst v0  }
0x29: {  	_ =	swait.ge [sflag:s28], $0x2710  }
0x2a: {  	[sflag:s28] =	ssyncset.done $0x0  }
0x2b: {  	[sflag:s28] =	ssyncadd.s32 $0xFFFFD8F0  }
0x2c: {  	_ =	swait.ge [sflag:s28], $0x2710  }
0x2d: {  	[sflag:s28] =	ssyncset.done $0x0  }
0x2e: {  	[sflag:s28] =	ssyncadd.s32 $0xFFFFD8F0  }
0x2f: {  	_ =	swait.ge [sflag:s28], $0x2710  }
0x30: {  	[sflag:s28] =	ssyncset.done $0x0  }
0x31: {  	s25 =	simm.s32 $0xC0;
	[sflag:s28] =	ssyncadd.s32 $0xFFFFD8F0  }
0x32: {  	s0 =	simm.s32 $0x27D0;
	v1 =	vld [tilespmem:s25+$0xC0]  }
0x33: {  	s1 =	simm.s32 $0x4EE0;
	v2 =	vld [tilespmem:s0+$0xC0]  }
0x34: {  	v3 =	vld [tilespmem:s1+$0xC0]  }
0x35: {  	v4 =	vld [tilespmem:s25+$0xFFFFFF40]  }
0x36: {  	v5 =	vld [tilespmem:s1+$0xFFFFFF40]  }
0x37: {  	v6 =	vld [tilespmem:s25+$0xFFFFFF50]  }
0x38: {  	v7 =	vld [tilespmem:s1+$0xFFFFFF50]  }
0x39: {  	v8 =	vld [tilespmem:s25+$0xFFFFFF60]  }
0x3a: {  	v9 =	vld [tilespmem:s25+$0xFFFFFF80]  }
0x3b: {  	v10 =	vld [tilespmem:s1+$0xFFFFFF80]  }
0x3c: {  	v11 =	vld [tilespmem:s25+$0xFFFFFF90]  }
0x3d: {  	v12 =	vld [tilespmem:s1+$0xFFFFFF90]  }
0x3e: {  	v13 =	vld [tilespmem:s25+$0xFFFFFFA0]  }
0x3f: {  	v14 =	vld [tilespmem:s1+$0xFFFFFFA0]  }
0x40: {  	v15 =	vld [tilespmem:s25+$0xFFFFFFB0]  }
0x41: {  	v16 =	vld [tilespmem:s1+$0xFFFFFFB0]  }
0x42: {  	v17 =	vld [tilespmem:s25+$0xFFFFFFC0]  }
0x43: {  	v18 =	vld [tilespmem:s1+$0xFFFFFFC0]  }
0x44: {  	v19 =	vld [tilespmem:s25+$0xFFFFFFD0]  }
0x45: {  	v20 =	vld [tilespmem:s1+$0xFFFFFFD0]  }
0x46: {  	v21 =	vld [tilespmem:s25+$0xFFFFFFE0]  }
0x47: {  	v22 =	vld [tilespmem:s1+$0xFFFFFFE0]  }
0x48: {  	v23 =	vld [tilespmem:s25+$0xFFFFFFF0]  }
0x49: {  	v24 =	vld [tilespmem:s1+$0xFFFFFFF0]  }
0x4a: {  	v25 =	vld [tilespmem:s25+$0x0]  }
0x4b: {  	v26 =	vld [tilespmem:s1+$0x0]  }
0x4c: {  	v27 =	vld [tilespmem:s25+$0x10]  }
0x4d: {  	v28 =	vld [tilespmem:s1+$0x10]  }
0x4e: {  	v29 =	vld [tilespmem:s25+$0x20]  }
0x4f: {  	v30 =	vld [tilespmem:s1+$0x20]  }
0x50: {  	v31 =	vld [tilespmem:s25+$0x30]  }
0x51: {  	v32 =	vld [tilespmem:s1+$0x30]  }
0x52: {  	v33 =	vld [tilespmem:s25+$0x40]  }
0x53: {  	v34 =	vld [tilespmem:s1+$0x40]  }
0x54: {  	v35 =	vld [tilespmem:s25+$0x50]  }
0x55: {  	v36 =	vld [tilespmem:s1+$0x50]  }
0x56: {  	v37 =	vld [tilespmem:s25+$0x60]  }
0x57: {  	v38 =	vld [tilespmem:s1+$0x60]  }
0x58: {  	v39 =	vld [tilespmem:s25+$0x70]  }
0x59: {  	v40 =	vld [tilespmem:s1+$0x70]  }
0x5a: {  	v41 =	vld [tilespmem:s25+$0x80]  }
0x5b: {  	v42 =	vld [tilespmem:s1+$0x80]  }
0x5c: {  	v43 =	vld [tilespmem:s0+$0xFFFFFF50]  }
0x5d: {  	v44 =	vld [tilespmem:s25+$0x90]  }
0x5e: {  	v45 =	vld [tilespmem:s1+$0x90]  }
0x5f: {  	v46 =	vld [tilespmem:s25+$0xA0]  }
0x60: {  	v47 =	vld [tilespmem:s0+$0xFFFFFF60]  }
0x61: {  	v48 =	vld [tilespmem:s1+$0xA0]  }
0x62: {  	v49 =	vld [tilespmem:s0+$0xFFFFFF70]  }
0x63: {  	v58 =	vld [tilespmem:s0+$0xFFFFFF80]  }
0x64: {  	v59 =	vld [tilespmem:s0+$0xFFFFFF90]  }
0x65: {  	v60 =	vld [tilespmem:s0+$0xFFFFFFC0]  }
0x66: {  	v61 =	vld [tilespmem:s0+$0xFFFFFFF0]  }
0x67: {  	v63 =	vld [tilespmem:s0+$0x10]  }
0x68: {  	v50 =	vld [tilespmem:s0+$0x20]  }
0x69: {  	v51 =	vld [tilespmem:s0+$0x30]  }
0x6a: {  	v52 =	vld [tilespmem:s0+$0x40]  }
0x6b: {  	v53 =	vld [tilespmem:s0+$0x50]  }
0x6c: {  	v55 =	vld [tilespmem:s0+$0x60]  }
0x6d: {  	v56 =	vld [tilespmem:s0+$0x70]  }
0x6e: {  	v57 =	vld [tilespmem:s0+$0x90]  }
0x6f: {  	v1 =	vmul.f32 v3, v1;
	v3 =	vld [tilespmem:s1+$0xFFFFFF60]  }
0x70: {  	v6 =	vmul.f32 v7, v6;
	v7 =	vld [tilespmem:s25+$0xB0]  }
0x71: {  	v9 =	vmul.f32 v10, v9;
	v10 =	vld [tilespmem:s0+$0xFFFFFFE0]  }
0x72: {  	[tilespmem:v2+s29+$0x0] =	vst.idx.add.f32.msk $0xffff, v1  }
0x73: {  	v1 =	vld [tilespmem:s25+$0xFFFFFF70]  }
0x74: {  	v2 =	vld [tilespmem:s1+$0xFFFFFF70]  }
0x75: {  	[tilespmem:v43+s29+$0x0] =	vst.idx.add.f32.msk $0xffff, v6  }
0x76: {  	v62 =	vmul.f32 v12, v11;
	v6 =	vld [tilespmem:s1+$0xB0]  }
0x77: {  	[tilespmem:v58+s29+$0x0] =	vst.idx.add.f32.msk $0xffff, v9;
	v3 =	vmul.f32 v3, v8  }
0x78: {  	[tilespmem:v59+s29+$0x0] =	vst.idx.add.f32.msk $0xffff, v62  }
0x79: {  	[tilespmem:v47+s29+$0x0] =	vst.idx.add.f32.msk $0xffff, v3  }
0x7a: {  	v3 =	vld [tilespmem:s0+$0xFFFFFFA0]  }
0x7b: {  	v17 =	vmul.f32 v18, v17;
	v58 =	vld [tilespmem:s0+$0xA0]  }
0x7c: {  	v59 =	vld [tilespmem:s0+$0xB0]  }
0x7d: {  	[tilespmem:v60+s29+$0x0] =	vst.idx.add.f32.msk $0xffff, v17;
	v1 =	vmul.f32 v2, v1  }
0x7e: {  	v2 =	vld [tilespmem:s0+$0xFFFFFFB0]  }
0x7f: {  	[tilespmem:v49+s29+$0x0] =	vst.idx.add.f32.msk $0xffff, v1  }
0x80: {  	v13 =	vmul.f32 v14, v13;
	v1 =	vld [tilespmem:s0+$0xFFFFFFD0]  }
0x81: {  	v8 =	vld [tilespmem:s0+$0x0]  }
0x82: {  	v60 =	vmul.f32 v24, v23;
	[tilespmem:v3+s29+$0x0] =	vst.idx.add.f32.msk $0xffff, v13  }
0x83: {  	v62 =	vmul.f32 v36, v35;
	v3 =	vld [tilespmem:s0+$0xFFFFFF40]  }
0x84: {  	[tilespmem:v61+s29+$0x0] =	vst.idx.add.f32.msk $0xffff, v60;
	v61 =	vmul.f32 v30, v29  }
0x85: {  	v54 =	vmul.f32 v16, v15;
	[tilespmem:v53+s29+$0x0] =	vst.idx.add.f32.msk $0xffff, v62  }
0x86: {  	v19 =	vmul.f32 v20, v19;
	[tilespmem:v50+s29+$0x0] =	vst.idx.add.f32.msk $0xffff, v61  }
0x87: {  	[tilespmem:v2+s29+$0x0] =	vst.idx.add.f32.msk $0xffff, v54  }
0x88: {  	[tilespmem:v1+s29+$0x0] =	vst.idx.add.f32.msk $0xffff, v19;
	v1 =	vmul.f32 v26, v25  }
0x89: {  	v4 =	vmul.f32 v5, v4;
	v2 =	vld [tilespmem:s0+$0x80]  }
0x8a: {  	[tilespmem:v8+s29+$0x0] =	vst.idx.add.f32.msk $0xffff, v1;
	v1 =	vmul.f32 v32, v31  }
0x8b: {  	[tilespmem:v3+s29+$0x0] =	vst.idx.add.f32.msk $0xffff, v4;
	v3 =	vmul.f32 v22, v21  }
0x8c: {  	[tilespmem:v51+s29+$0x0] =	vst.idx.add.f32.msk $0xffff, v1;
	v1 =	vmul.f32 v38, v37  }
0x8d: {  	[tilespmem:v10+s29+$0x0] =	vst.idx.add.f32.msk $0xffff, v3;
	v3 =	vmul.f32 v28, v27  }
0x8e: {  	[tilespmem:v55+s29+$0x0] =	vst.idx.add.f32.msk $0xffff, v1;
	v1 =	vmul.f32 v45, v44  }
0x8f: {  	[tilespmem:v63+s29+$0x0] =	vst.idx.add.f32.msk $0xffff, v3;
	v3 =	vmul.f32 v34, v33  }
0x90: {  	[tilespmem:v57+s29+$0x0] =	vst.idx.add.f32.msk $0xffff, v1;
	v63 =	vmul.f32 v42, v41  }
0x91: {  	[tilespmem:v52+s29+$0x0] =	vst.idx.add.f32.msk $0xffff, v3;
	v3 =	vmul.f32 v40, v39  }
0x92: {  	[tilespmem:v2+s29+$0x0] =	vst.idx.add.f32.msk $0xffff, v63;
	v2 =	vmul.f32 v6, v7  }
0x93: {  	[tilespmem:v56+s29+$0x0] =	vst.idx.add.f32.msk $0xffff, v3;
	v3 =	vmul.f32 v48, v46  }
0x94: {  	[tilespmem:v59+s29+$0x0] =	vst.idx.add.f32.msk $0xffff, v2  }
0x95: {  	s26 =	simm.s32 $0x250;
	s25 =	simm.s32 $0x0;
	[tilespmem:v58+s29+$0x0] =	vst.idx.add.f32.msk $0xffff, v3  }
.LBB2_4:
0x96: {  	v1 =	vld [tilespmem:s26+$0xC0];
	s0 =	sadd.s32 $0x190, s0  }
0x97: {  	s25 =	sadd.s32 $0x19, s25;
	s1 =	sadd.s32 $0x190, s1;
	v2 =	vld [tilespmem:s0+$0xC0]  }
0x98: {  	p0 =	slt.u32 s25, $0x258;
	v3 =	vld [tilespmem:s1+$0xC0]  }
0x99: {  	v4 =	vld [tilespmem:s26+$0xFFFFFF40]  }
0x9a: {  	v5 =	vld [tilespmem:s1+$0xFFFFFF40]  }
0x9b: {  	v6 =	vld [tilespmem:s26+$0xFFFFFF50]  }
0x9c: {  	v7 =	vld [tilespmem:s1+$0xFFFFFF50]  }
0x9d: {  	v8 =	vld [tilespmem:s26+$0xFFFFFF60];
	v3 =	vmul.f32 v3, v1  }
0x9e: {  	v9 =	vld [tilespmem:s1+$0xFFFFFF60]  }
0x9f: {  	v1 =	vmul.f32 v5, v4;
	[tilespmem:v2+s29+$0x0] =	vst.idx.add.f32.msk $0xffff, v3  }
0xa0: {  	v4 =	vld [tilespmem:s26+$0xFFFFFF70]  }
0xa1: {  	v2 =	vmul.f32 v7, v6;
	v5 =	vld [tilespmem:s1+$0xFFFFFF70]  }
0xa2: {  	v6 =	vld [tilespmem:s26+$0xFFFFFF80]  }
0xa3: {  	v3 =	vmul.f32 v9, v8;
	v7 =	vld [tilespmem:s1+$0xFFFFFF80]  }
0xa4: {  	v8 =	vld [tilespmem:s26+$0xFFFFFF90]  }
0xa5: {  	v9 =	vld [tilespmem:s1+$0xFFFFFF90]  }
0xa6: {  	v4 =	vmul.f32 v5, v4;
	v10 =	vld [tilespmem:s26+$0xFFFFFFA0]  }
0xa7: {  	v11 =	vld [tilespmem:s1+$0xFFFFFFA0]  }
0xa8: {  	v5 =	vmul.f32 v7, v6;
	v12 =	vld [tilespmem:s26+$0xFFFFFFB0]  }
0xa9: {  	v13 =	vld [tilespmem:s1+$0xFFFFFFB0]  }
0xaa: {  	v6 =	vmul.f32 v9, v8;
	v9 =	vld [tilespmem:s26+$0xFFFFFFC0]  }
0xab: {  	v14 =	vld [tilespmem:s1+$0xFFFFFFC0]  }
0xac: {  	v7 =	vmul.f32 v11, v10;
	v10 =	vld [tilespmem:s26+$0xFFFFFFD0]  }
0xad: {  	v11 =	vld [tilespmem:s1+$0xFFFFFFD0]  }
0xae: {  	v8 =	vmul.f32 v13, v12;
	v12 =	vld [tilespmem:s26+$0xFFFFFFE0]  }
0xaf: {  	v13 =	vld [tilespmem:s1+$0xFFFFFFE0]  }
0xb0: {  	v9 =	vmul.f32 v14, v9;
	v14 =	vld [tilespmem:s26+$0xFFFFFFF0]  }
0xb1: {  	v15 =	vld [tilespmem:s1+$0xFFFFFFF0]  }
0xb2: {  	v10 =	vmul.f32 v11, v10;
	v11 =	vld [tilespmem:s26+$0x0]  }
0xb3: {  	v16 =	vld [tilespmem:s1+$0x0]  }
0xb4: {  	v12 =	vmul.f32 v13, v12;
	v13 =	vld [tilespmem:s26+$0x10]  }
0xb5: {  	v17 =	vld [tilespmem:s1+$0x10]  }
0xb6: {  	v14 =	vmul.f32 v15, v14;
	v15 =	vld [tilespmem:s26+$0x20]  }
0xb7: {  	v18 =	vld [tilespmem:s1+$0x20]  }
0xb8: {  	v11 =	vmul.f32 v16, v11;
	v16 =	vld [tilespmem:s26+$0x30]  }
0xb9: {  	v19 =	vld [tilespmem:s1+$0x30]  }
0xba: {  	v13 =	vmul.f32 v17, v13;
	v17 =	vld [tilespmem:s26+$0x40]  }
0xbb: {  	v20 =	vld [tilespmem:s1+$0x40]  }
0xbc: {  	v15 =	vmul.f32 v18, v15;
	v18 =	vld [tilespmem:s26+$0x50]  }
0xbd: {  	v21 =	vld [tilespmem:s1+$0x50]  }
0xbe: {  	v16 =	vmul.f32 v19, v16;
	v19 =	vld [tilespmem:s26+$0x60]  }
0xbf: {  	v22 =	vld [tilespmem:s1+$0x60]  }
0xc0: {  	v17 =	vmul.f32 v20, v17;
	v20 =	vld [tilespmem:s26+$0x70]  }
0xc1: {  	v23 =	vld [tilespmem:s1+$0x70]  }
0xc2: {  	v18 =	vmul.f32 v21, v18;
	v21 =	vld [tilespmem:s26+$0x80]  }
0xc3: {  	v24 =	vld [tilespmem:s1+$0x80]  }
0xc4: {  	v19 =	vmul.f32 v22, v19;
	v22 =	vld [tilespmem:s26+$0x90]  }
0xc5: {  	v25 =	vld [tilespmem:s1+$0x90]  }
0xc6: {  	v20 =	vmul.f32 v23, v20;
	v23 =	vld [tilespmem:s26+$0xA0]  }
0xc7: {  	v26 =	vld [tilespmem:s1+$0xA0]  }
0xc8: {  	v21 =	vmul.f32 v24, v21;
	v24 =	vld [tilespmem:s26+$0xB0]  }
0xc9: {  	v27 =	vld [tilespmem:s1+$0xB0]  }
0xca: {  	v28 =	vld [tilespmem:s0+$0xFFFFFF50];
	v22 =	vmul.f32 v25, v22  }
0xcb: {  	v25 =	vld [tilespmem:s0+$0xFFFFFF60]  }
0xcc: {  	v29 =	vld [tilespmem:s0+$0xFFFFFF70];
	v23 =	vmul.f32 v26, v23  }
0xcd: {  	v26 =	vld [tilespmem:s0+$0xFFFFFF80]  }
0xce: {  	v30 =	vld [tilespmem:s0+$0xFFFFFF90];
	v24 =	vmul.f32 v27, v24  }
0xcf: {  	v27 =	vld [tilespmem:s0+$0xFFFFFFA0]  }
0xd0: {  	v31 =	vld [tilespmem:s0+$0xFFFFFFB0]  }
0xd1: {  	v32 =	vld [tilespmem:s0+$0xFFFFFFC0]  }
0xd2: {  	v33 =	vld [tilespmem:s0+$0xFFFFFFD0]  }
0xd3: {  	v34 =	vld [tilespmem:s0+$0xFFFFFFE0]  }
0xd4: {  	v35 =	vld [tilespmem:s0+$0xFFFFFFF0]  }
0xd5: {  	v36 =	vld [tilespmem:s0+$0x0]  }
0xd6: {  	v37 =	vld [tilespmem:s0+$0x10]  }
0xd7: {  	v38 =	vld [tilespmem:s0+$0x20]  }
0xd8: {  	v39 =	vld [tilespmem:s0+$0x30]  }
0xd9: {  	v40 =	vld [tilespmem:s0+$0x40]  }
0xda: {  	v41 =	vld [tilespmem:s0+$0x50]  }
0xdb: {  	v42 =	vld [tilespmem:s0+$0x60]  }
0xdc: {  	v43 =	vld [tilespmem:s0+$0x70]  }
0xdd: {  	v44 =	vld [tilespmem:s0+$0x80]  }
0xde: {  	v45 =	vld [tilespmem:s0+$0x90]  }
0xdf: {  	v46 =	vld [tilespmem:s0+$0xA0]  }
0xe0: {  	v47 =	vld [tilespmem:s0+$0xB0]  }
0xe1: {  	v48 =	vld [tilespmem:s0+$0xFFFFFF40]  }
0xe2: {  	[tilespmem:v28+s29+$0x0] =	vst.idx.add.f32.msk $0xffff, v2  }
0xe3: {  	[tilespmem:v25+s29+$0x0] =	vst.idx.add.f32.msk $0xffff, v3  }
0xe4: {  	[tilespmem:v29+s29+$0x0] =	vst.idx.add.f32.msk $0xffff, v4  }
0xe5: {  	[tilespmem:v26+s29+$0x0] =	vst.idx.add.f32.msk $0xffff, v5  }
0xe6: {  	[tilespmem:v30+s29+$0x0] =	vst.idx.add.f32.msk $0xffff, v6  }
0xe7: {  	[tilespmem:v27+s29+$0x0] =	vst.idx.add.f32.msk $0xffff, v7  }
0xe8: {  	[tilespmem:v31+s29+$0x0] =	vst.idx.add.f32.msk $0xffff, v8  }
0xe9: {  	[tilespmem:v48+s29+$0x0] =	vst.idx.add.f32.msk $0xffff, v1  }
0xea: {  	[tilespmem:v32+s29+$0x0] =	vst.idx.add.f32.msk $0xffff, v9  }
0xeb: {  	[tilespmem:v33+s29+$0x0] =	vst.idx.add.f32.msk $0xffff, v10  }
0xec: {  	[tilespmem:v34+s29+$0x0] =	vst.idx.add.f32.msk $0xffff, v12  }
0xed: {  	[tilespmem:v35+s29+$0x0] =	vst.idx.add.f32.msk $0xffff, v14  }
0xee: {  	[tilespmem:v36+s29+$0x0] =	vst.idx.add.f32.msk $0xffff, v11  }
0xef: {  	[tilespmem:v37+s29+$0x0] =	vst.idx.add.f32.msk $0xffff, v13  }
0xf0: {  	[tilespmem:v38+s29+$0x0] =	vst.idx.add.f32.msk $0xffff, v15  }
0xf1: {  	[tilespmem:v39+s29+$0x0] =	vst.idx.add.f32.msk $0xffff, v16  }
0xf2: {  	[tilespmem:v40+s29+$0x0] =	vst.idx.add.f32.msk $0xffff, v17  }
0xf3: {  	[tilespmem:v41+s29+$0x0] =	vst.idx.add.f32.msk $0xffff, v18  }
0xf4: {  	[tilespmem:v42+s29+$0x0] =	vst.idx.add.f32.msk $0xffff, v19  }
.Ltmp1:
0xf5: {  	[tilespmem:v43+s29+$0x0] =	vst.idx.add.f32.msk $0xffff, v20;
	(pc) =	sbr.rel @p0 .LBB2_4-.Ltmp1, $4  }
0xf6: {  	[tilespmem:v44+s29+$0x0] =	vst.idx.add.f32.msk $0xffff, v21  }
0xf7: {  	[tilespmem:v45+s29+$0x0] =	vst.idx.add.f32.msk $0xffff, v22  }
0xf8: {  	[tilespmem:v46+s29+$0x0] =	vst.idx.add.f32.msk $0xffff, v23  }
0xf9: {  	s26 =	sadd.s32 $0x190, s26;
	[tilespmem:v47+s29+$0x0] =	vst.idx.add.f32.msk $0xffff, v24  }
0xfa: {  	[spmem:s7] =	stream.linear.scatter [tilespmem:s29], [sflag:$0x2], $0x2800, $0x38;
	[tilespmem:$0xED30] =	vst v63  }
0xfb: {  	_ =	swait.ge [sflag:s30], $0x2800  }
0xfc: {  	[sflag:s30] =	ssyncset.done $0x0  }
0xfd: {  	[sflag:s30] =	ssyncadd.s32 $0xFFFFD800  }
0xfe: {  	s0 =	simm.s32 $0x9D30;
	[bflag:$0x0] =	sbarrier.arrive $0xFFFF  }
0xff: {  	[tilespmem:s0], [sflag:$0x1] =	stream.linear.gather [spmem:s6], $0x280, $0x38;
	[tilespmem:$0xED30] =	vst v63  }
0x100: {  	s25 =	simm.s32 $0x9FB0  }
0x101: {  	[tilespmem:s25], [sflag:$0x1] =	stream.linear.gather [spmem:s8], $0x280, $0x38;
	[tilespmem:$0xED30] =	vst v63  }
0x102: {  	s26 =	simm.s32 $0xA230  }
0x103: {  	[tilespmem:s26], [sflag:$0x1] =	stream.linear.gather [spmem:s9], $0x280, $0x38;
	[tilespmem:$0xED30] =	vst v63  }
0x104: {  	s1 =	simm.s32 $0xA4B0  }
0x105: {  	[tilespmem:s1], [sflag:$0x1] =	stream.linear.gather [spmem:s10], $0x280, $0x38;
	[tilespmem:$0xED30] =	vst v63  }
0x106: {  	s25 =	simm.s32 $0xA730  }
0x107: {  	[tilespmem:s25], [sflag:$0x1] =	stream.linear.gather [spmem:s11], $0x280, $0x38;
	[tilespmem:$0xED30] =	vst v63  }
0x108: {  	s26 =	simm.s32 $0xA9B0  }
0x109: {  	[tilespmem:s26], [sflag:$0x1] =	stream.linear.gather [spmem:s12], $0x280, $0x38;
	[tilespmem:$0xED30] =	vst v63  }
0x10a: {  	s1 =	simm.s32 $0xAC30  }
0x10b: {  	[tilespmem:s1], [sflag:$0x1] =	stream.linear.gather [spmem:s13], $0x280, $0x38;
	[tilespmem:$0xED30] =	vst v63  }
0x10c: {  	s25 =	simm.s32 $0xAEB0  }
0x10d: {  	[tilespmem:s25], [sflag:$0x1] =	stream.linear.gather [spmem:s14], $0x280, $0x38;
	[tilespmem:$0xED30] =	vst v63  }
0x10e: {  	s25 =	simm.s32 $0xB130  }
0x10f: {  	[tilespmem:s25], [sflag:$0x1] =	stream.linear.gather [spmem:s15], $0x280, $0x38;
	[tilespmem:$0xED30] =	vst v63  }
0x110: {  	s26 =	simm.s32 $0xB3B0  }
0x111: {  	[tilespmem:s26], [sflag:$0x1] =	stream.linear.gather [spmem:s16], $0x280, $0x38;
	[tilespmem:$0xED30] =	vst v63  }
0x112: {  	s1 =	simm.s32 $0xB630  }
0x113: {  	[tilespmem:s1], [sflag:$0x1] =	stream.linear.gather [spmem:s17], $0x280, $0x38;
	[tilespmem:$0xED30] =	vst v63  }
0x114: {  	s26 =	simm.s32 $0xB8B0  }
0x115: {  	[tilespmem:s26], [sflag:$0x1] =	stream.linear.gather [spmem:s18], $0x280, $0x38;
	[tilespmem:$0xED30] =	vst v63  }
0x116: {  	s1 =	simm.s32 $0xBB30  }
0x117: {  	[tilespmem:s1], [sflag:$0x1] =	stream.linear.gather [spmem:s19], $0x280, $0x38;
	[tilespmem:$0xED30] =	vst v63  }
0x118: {  	s26 =	simm.s32 $0xBDB0  }
0x119: {  	[tilespmem:s26], [sflag:$0x1] =	stream.linear.gather [spmem:s20], $0x280, $0x38;
	[tilespmem:$0xED30] =	vst v63  }
0x11a: {  	s1 =	simm.s32 $0xC030  }
0x11b: {  	[tilespmem:s1], [sflag:$0x1] =	stream.linear.gather [spmem:s21], $0x280, $0x38;
	[tilespmem:$0xED30] =	vst v63  }
0x11c: {  	s26 =	simm.s32 $0xC2B0  }
0x11d: {  	[tilespmem:s26], [sflag:$0x1] =	stream.linear.gather [spmem:s22], $0x280, $0x38;
	[tilespmem:$0xED30] =	vst v63  }
0x11e: {  	_ =	swait.ge [sflag:s28], $0x280  }
0x11f: {  	[sflag:s28] =	ssyncset.done $0x0  }
0x120: {  	[sflag:s28] =	ssyncadd.s32 $0xFFFFFD80  }
0x121: {  	_ =	swait.ge [sflag:s28], $0x280  }
0x122: {  	[sflag:s28] =	ssyncset.done $0x0  }
0x123: {  	[sflag:s28] =	ssyncadd.s32 $0xFFFFFD80  }
0x124: {  	_ =	swait.ge [sflag:s28], $0x280  }
0x125: {  	[sflag:s28] =	ssyncset.done $0x0  }
0x126: {  	[sflag:s28] =	ssyncadd.s32 $0xFFFFFD80  }
0x127: {  	_ =	swait.ge [sflag:s28], $0x280  }
0x128: {  	[sflag:s28] =	ssyncset.done $0x0  }
0x129: {  	[sflag:s28] =	ssyncadd.s32 $0xFFFFFD80  }
0x12a: {  	_ =	swait.ge [sflag:s28], $0x280  }
0x12b: {  	[sflag:s28] =	ssyncset.done $0x0  }
0x12c: {  	[sflag:s28] =	ssyncadd.s32 $0xFFFFFD80  }
0x12d: {  	_ =	swait.ge [sflag:s28], $0x280  }
0x12e: {  	[sflag:s28] =	ssyncset.done $0x0  }
0x12f: {  	[sflag:s28] =	ssyncadd.s32 $0xFFFFFD80  }
0x130: {  	_ =	swait.ge [sflag:s28], $0x280  }
0x131: {  	[sflag:s28] =	ssyncset.done $0x0  }
0x132: {  	[sflag:s28] =	ssyncadd.s32 $0xFFFFFD80  }
0x133: {  	_ =	swait.ge [sflag:s28], $0x280  }
0x134: {  	[sflag:s28] =	ssyncset.done $0x0  }
0x135: {  	[sflag:s28] =	ssyncadd.s32 $0xFFFFFD80  }
0x136: {  	_ =	swait.ge [sflag:s28], $0x280  }
0x137: {  	[sflag:s28] =	ssyncset.done $0x0  }
0x138: {  	[sflag:s28] =	ssyncadd.s32 $0xFFFFFD80  }
0x139: {  	_ =	swait.ge [sflag:s28], $0x280  }
0x13a: {  	[sflag:s28] =	ssyncset.done $0x0  }
0x13b: {  	[sflag:s28] =	ssyncadd.s32 $0xFFFFFD80  }
0x13c: {  	_ =	swait.ge [sflag:s28], $0x280  }
0x13d: {  	[sflag:s28] =	ssyncset.done $0x0  }
0x13e: {  	[sflag:s28] =	ssyncadd.s32 $0xFFFFFD80  }
0x13f: {  	_ =	swait.ge [sflag:s28], $0x280  }
0x140: {  	[sflag:s28] =	ssyncset.done $0x0  }
0x141: {  	[sflag:s28] =	ssyncadd.s32 $0xFFFFFD80  }
0x142: {  	_ =	swait.ge [sflag:s28], $0x280  }
0x143: {  	[sflag:s28] =	ssyncset.done $0x0  }
0x144: {  	[sflag:s28] =	ssyncadd.s32 $0xFFFFFD80  }
0x145: {  	_ =	swait.ge [sflag:s28], $0x280  }
0x146: {  	[sflag:s28] =	ssyncset.done $0x0  }
0x147: {  	[sflag:s28] =	ssyncadd.s32 $0xFFFFFD80  }
0x148: {  	_ =	swait.ge [sflag:s28], $0x280  }
0x149: {  	[sflag:s28] =	ssyncset.done $0x0  }
0x14a: {  	[sflag:s28] =	ssyncadd.s32 $0xFFFFFD80  }
0x14b: {  	_ =	swait.ge [sflag:s28], $0x280  }
0x14c: {  	[sflag:s28] =	ssyncset.done $0x0  }
0x14d: {  	[sflag:s28] =	ssyncadd.s32 $0xFFFFFD80  }
0x14e: {  	v1 =	vld [tilespmem:s25+$0xFFFFEC30]  }
0x14f: {  	v2 =	vld [tilespmem:s25+$0xFFFFEEB0]  }
0x150: {  	v3 =	vld [tilespmem:s25+$0xFFFFEE80]  }
0x151: {  	v4 =	vld [tilespmem:s25+$0xFFFFF130]  }
0x152: {  	v5 =	vld [tilespmem:s25+$0xFFFFEC10]  }
0x153: {  	v6 =	vld [tilespmem:s25+$0xFFFFF3B0]  }
0x154: {  	v7 =	vld [tilespmem:s25+$0xFFFFEE90]  }
0x155: {  	v8 =	vld [tilespmem:s25+$0xFFFFF630]  }
0x156: {  	v9 =	vld [tilespmem:s25+$0xFFFFEC20]  }
0x157: {  	v10 =	vld [tilespmem:s25+$0xFFFFF8B0]  }
0x158: {  	v11 =	vld [tilespmem:s25+$0xFFFFEEA0]  }
0x159: {  	v12 =	vld [tilespmem:s25+$0xFFFFFB30]  }
0x15a: {  	v13 =	vld [tilespmem:s25+$0xFFFFEC00]  }
0x15b: {  	v14 =	vld [tilespmem:s25+$0xFFFFFDB0]  }
0x15c: {  	v15 =	vld [tilespmem:s25+$0xFFFFF100]  }
0x15d: {  	v16 =	vld [tilespmem:s25+$0x30]  }
0x15e: {  	v17 =	vld [tilespmem:s25+$0xFFFFF110]  }
0x15f: {  	v18 =	vld [tilespmem:s25+$0x2B0]  }
0x160: {  	v19 =	vld [tilespmem:s25+$0xFFFFF120]  }
0x161: {  	v20 =	vld [tilespmem:s25+$0x530]  }
0x162: {  	v21 =	vld [tilespmem:s25+$0xFFFFF380]  }
0x163: {  	v22 =	vld [tilespmem:s25+$0x7B0]  }
0x164: {  	v23 =	vld [tilespmem:s25+$0xFFFFF390]  }
0x165: {  	v24 =	vld [tilespmem:s25+$0xA30]  }
0x166: {  	v25 =	vld [tilespmem:s25+$0xFFFFF3A0]  }
0x167: {  	v26 =	vld [tilespmem:s25+$0xCB0]  }
0x168: {  	v27 =	vld [tilespmem:s25+$0xFFFFF600]  }
0x169: {  	v28 =	vld [tilespmem:s25+$0xF30]  }
0x16a: {  	v29 =	vld [tilespmem:s25+$0xFFFFF610]  }
0x16b: {  	v30 =	vld [tilespmem:s25+$0x11B0]  }
0x16c: {  	v31 =	vld [tilespmem:s25+$0xFFFFF620]  }
0x16d: {  	v32 =	vld [tilespmem:s25+$0xFFFFF880]  }
0x16e: {  	v33 =	vld [tilespmem:s25+$0xFFFFF8A0]  }
0x16f: {  	v34 =	vld [tilespmem:s25+$0xFFFFFB10];
	v1 =	vadd.f32 v2, v1  }
0x170: {  	v56 =	vld [tilespmem:s25+$0xFFFFFD80]  }
0x171: {  	v57 =	vld [tilespmem:s25+$0x20];
	v1 =	vadd.f32 v4, v1  }
0x172: {  	v58 =	vld [tilespmem:s25+$0x280];
	v3 =	vadd.f32 v3, v13;
	v5 =	vadd.f32 v7, v5  }
0x173: {  	v59 =	vld [tilespmem:s25+$0x290];
	v1 =	vadd.f32 v6, v1  }
0x174: {  	v60 =	vld [tilespmem:s25+$0x2A0];
	v3 =	vadd.f32 v15, v3;
	v5 =	vadd.f32 v17, v5  }
0x175: {  	v2 =	vld [tilespmem:s25+$0xFFFFF890];
	v1 =	vadd.f32 v8, v1;
	v8 =	vadd.f32 v11, v9  }
0x176: {  	v61 =	vld [tilespmem:s25+$0x520];
	v3 =	vadd.f32 v21, v3;
	v5 =	vadd.f32 v23, v5  }
0x177: {  	v4 =	vld [tilespmem:s25+$0xFFFFFB00];
	v1 =	vadd.f32 v10, v1;
	v8 =	vadd.f32 v19, v8  }
0x178: {  	v7 =	vld [tilespmem:s25+$0xFFFFFD90];
	v3 =	vadd.f32 v27, v3;
	v5 =	vadd.f32 v29, v5  }
0x179: {  	v6 =	vld [tilespmem:s25+$0xFFFFFB20];
	v1 =	vadd.f32 v12, v1;
	v8 =	vadd.f32 v25, v8  }
0x17a: {  	v11 =	vld [tilespmem:s25+$0x10];
	v3 =	vadd.f32 v32, v3;
	v2 =	vadd.f32 v2, v5  }
0x17b: {  	v10 =	vld [tilespmem:s25+$0x0];
	v1 =	vadd.f32 v14, v1;
	v8 =	vadd.f32 v31, v8  }
0x17c: {  	v9 =	vld [tilespmem:s25+$0xFFFFFDA0];
	v3 =	vadd.f32 v4, v3;
	v2 =	vadd.f32 v34, v2  }
0x17d: {  	v62 =	vld [tilespmem:s25+$0xA20];
	v1 =	vadd.f32 v16, v1;
	v8 =	vadd.f32 v33, v8  }
0x17e: {  	v5 =	vld [tilespmem:s25+$0x500];
	v3 =	vadd.f32 v56, v3;
	v2 =	vadd.f32 v7, v2  }
0x17f: {  	v4 =	vld [tilespmem:s25+$0x510];
	v1 =	vadd.f32 v18, v1;
	v6 =	vadd.f32 v6, v8  }
0x180: {  	v7 =	vld [tilespmem:s25+$0x790];
	v3 =	vadd.f32 v10, v3;
	v2 =	vadd.f32 v11, v2  }
0x181: {  	v8 =	vld [tilespmem:s25+$0x780];
	v1 =	vadd.f32 v20, v1;
	v6 =	vadd.f32 v9, v6  }
0x182: {  	v10 =	vld [tilespmem:s25+$0xA00];
	v3 =	vadd.f32 v58, v3;
	v2 =	vadd.f32 v59, v2  }
0x183: {  	v11 =	vld [tilespmem:s25+$0xA10];
	v1 =	vadd.f32 v22, v1;
	v6 =	vadd.f32 v57, v6  }
0x184: {  	v9 =	vld [tilespmem:s25+$0x7A0];
	v3 =	vadd.f32 v5, v3;
	v2 =	vadd.f32 v4, v2  }
0x185: {  	v5 =	vld [tilespmem:s25+$0xC80];
	v1 =	vadd.f32 v24, v1;
	v6 =	vadd.f32 v60, v6  }
0x186: {  	v4 =	vld [tilespmem:s25+$0xC90];
	v2 =	vadd.f32 v7, v2;
	v3 =	vadd.f32 v8, v3  }
0x187: {  	v7 =	vld [tilespmem:s25+$0xF00];
	v1 =	vadd.f32 v26, v1;
	v6 =	vadd.f32 v61, v6  }
0x188: {  	v8 =	vld [tilespmem:s25+$0xCA0];
	v3 =	vadd.f32 v10, v3  }
0x189: {  	v63 =	vadd.f32 v28, v1;
	v6 =	vadd.f32 v9, v6;
	v1 =	vld [tilespmem:s25+$0xF10]  }
0x18a: {  	v10 =	vadd.f32 v11, v2;
	v2 =	vld [tilespmem:s25+$0xF20];
	v5 =	vadd.f32 v5, v3  }
0x18b: {  	v3 =	vld [tilespmem:s25+$0x1180];
	v9 =	vadd.f32 v30, v63;
	v11 =	vadd.f32 v62, v6  }
0x18c: {  	s0 =	simm.s32 $0x7550;
	v6 =	vadd.f32 v4, v10;
	v4 =	vld [tilespmem:s25+$0x1190]  }
0x18d: {  	s1 =	simm.s32 $0x0;
	v7 =	vadd.f32 v7, v5;
	v5 =	vld [tilespmem:s25+$0x11A0];
	s25 =	simm.s32 $0xB170;
	[tilespmem:s0+$0x10] =	vst v9;
	v8 =	vadd.f32 v8, v11  }
.LBB2_6:
0x18e: {  	v9 =	vld [tilespmem:s25+$0xFFFFEC30];
	v1 =	vadd.f32 v1, v6  }
0x18f: {  	s1 =	sadd.s32 $0x4, s1;
	v6 =	vld [tilespmem:s25+$0xFFFFEEB0];
	v2 =	vadd.f32 v2, v8  }
0x190: {  	p0 =	slt.u32 s1, $0x24;
	v8 =	vld [tilespmem:s25+$0xFFFFEE80];
	v3 =	vadd.f32 v3, v7  }
0x191: {  	v7 =	vld [tilespmem:s25+$0xFFFFF130];
	v1 =	vadd.f32 v4, v1  }
0x192: {  	v4 =	vld [tilespmem:s25+$0xFFFFEC10];
	[tilespmem:s0+$0xFFFFFFE0] =	vst v3;
	v2 =	vadd.f32 v5, v2  }
0x193: {  	v3 =	vld [tilespmem:s25+$0xFFFFF3B0];
	[tilespmem:s0+$0xFFFFFFF0] =	vst v1  }
0x194: {  	v1 =	vld [tilespmem:s25+$0xFFFFEE90];
	v5 =	vadd.f32 v6, v9;
	[tilespmem:s0+$0x0] =	vst v2  }
0x195: {  	v2 =	vld [tilespmem:s25+$0xFFFFF630]  }
0x196: {  	v6 =	vld [tilespmem:s25+$0xFFFFEC20];
	v5 =	vadd.f32 v7, v5  }
0x197: {  	v7 =	vld [tilespmem:s25+$0xFFFFF8B0]  }
0x198: {  	v9 =	vld [tilespmem:s25+$0xFFFFEEA0];
	v3 =	vadd.f32 v3, v5  }
0x199: {  	v1 =	vadd.f32 v1, v4;
	v4 =	vld [tilespmem:s25+$0xFFFFFB30]  }
0x19a: {  	v5 =	vld [tilespmem:s25+$0xFFFFEC00];
	v2 =	vadd.f32 v2, v3  }
0x19b: {  	v3 =	vld [tilespmem:s25+$0xFFFFFDB0]  }
0x19c: {  	v10 =	vld [tilespmem:s25+$0xFFFFF100];
	v2 =	vadd.f32 v7, v2  }
0x19d: {  	v6 =	vadd.f32 v9, v6;
	v7 =	vld [tilespmem:s25+$0x30]  }
0x19e: {  	v9 =	vld [tilespmem:s25+$0xFFFFF110];
	v2 =	vadd.f32 v4, v2  }
0x19f: {  	v4 =	vadd.f32 v8, v5;
	v5 =	vld [tilespmem:s25+$0x2B0]  }
0x1a0: {  	v8 =	vld [tilespmem:s25+$0xFFFFF120];
	v2 =	vadd.f32 v3, v2  }
0x1a1: {  	v3 =	vadd.f32 v10, v4;
	v4 =	vld [tilespmem:s25+$0x530]  }
0x1a2: {  	v10 =	vld [tilespmem:s25+$0xFFFFF380];
	v2 =	vadd.f32 v7, v2  }
0x1a3: {  	v1 =	vadd.f32 v9, v1;
	v7 =	vld [tilespmem:s25+$0x7B0]  }
0x1a4: {  	v9 =	vld [tilespmem:s25+$0xFFFFF390];
	v2 =	vadd.f32 v5, v2  }
0x1a5: {  	v5 =	vadd.f32 v8, v6;
	v6 =	vld [tilespmem:s25+$0xA30]  }
0x1a6: {  	v8 =	vld [tilespmem:s25+$0xFFFFF3A0];
	v2 =	vadd.f32 v4, v2  }
0x1a7: {  	v3 =	vadd.f32 v10, v3;
	v4 =	vld [tilespmem:s25+$0xCB0]  }
0x1a8: {  	v10 =	vld [tilespmem:s25+$0xFFFFF600];
	v2 =	vadd.f32 v7, v2  }
0x1a9: {  	v1 =	vadd.f32 v9, v1;
	v7 =	vld [tilespmem:s25+$0xF30]  }
0x1aa: {  	v9 =	vld [tilespmem:s25+$0xFFFFF610];
	v2 =	vadd.f32 v6, v2  }
0x1ab: {  	v5 =	vadd.f32 v8, v5;
	v6 =	vld [tilespmem:s25+$0x11B0]  }
0x1ac: {  	v8 =	vld [tilespmem:s25+$0xFFFFF620];
	v2 =	vadd.f32 v4, v2  }
0x1ad: {  	v3 =	vadd.f32 v10, v3;
	v4 =	vld [tilespmem:s25+$0xFFFFF880]  }
0x1ae: {  	v10 =	vld [tilespmem:s25+$0xFFFFF890];
	v2 =	vadd.f32 v7, v2  }
0x1af: {  	v1 =	vadd.f32 v9, v1;
	v7 =	vld [tilespmem:s25+$0xFFFFF8A0]  }
0x1b0: {  	v9 =	vld [tilespmem:s25+$0xFFFFFB00];
	v2 =	vadd.f32 v6, v2  }
0x1b1: {  	s0 =	sadd.s32 $0x40, s0;
	v6 =	vld [tilespmem:s25+$0xFFFFFB10];
	v5 =	vadd.f32 v8, v5  }
0x1b2: {  	v3 =	vadd.f32 v4, v3;
	v4 =	vld [tilespmem:s25+$0xFFFFFB20];
	[tilespmem:s0+$0x10] =	vst v2  }
0x1b3: {  	v2 =	vld [tilespmem:s25+$0xFFFFFD80];
	v1 =	vadd.f32 v10, v1  }
0x1b4: {  	v8 =	vld [tilespmem:s25+$0xFFFFFD90];
	v5 =	vadd.f32 v7, v5  }
0x1b5: {  	v3 =	vadd.f32 v9, v3;
	v7 =	vld [tilespmem:s25+$0xFFFFFDA0]  }
0x1b6: {  	v9 =	vld [tilespmem:s25+$0x0];
	v1 =	vadd.f32 v6, v1  }
0x1b7: {  	v6 =	vld [tilespmem:s25+$0x10];
	v4 =	vadd.f32 v4, v5  }
0x1b8: {  	v2 =	vadd.f32 v2, v3;
	v3 =	vld [tilespmem:s25+$0x20]  }
0x1b9: {  	v5 =	vld [tilespmem:s25+$0x280];
	v1 =	vadd.f32 v8, v1  }
0x1ba: {  	v8 =	vld [tilespmem:s25+$0x290];
	v4 =	vadd.f32 v7, v4  }
0x1bb: {  	v2 =	vadd.f32 v9, v2;
	v7 =	vld [tilespmem:s25+$0x2A0]  }
0x1bc: {  	v9 =	vld [tilespmem:s25+$0x500];
	v1 =	vadd.f32 v6, v1  }
0x1bd: {  	v6 =	vld [tilespmem:s25+$0x510];
	v3 =	vadd.f32 v3, v4  }
0x1be: {  	v2 =	vadd.f32 v5, v2;
	v4 =	vld [tilespmem:s25+$0x520]  }
0x1bf: {  	v5 =	vld [tilespmem:s25+$0x780];
	v1 =	vadd.f32 v8, v1  }
0x1c0: {  	v8 =	vld [tilespmem:s25+$0x790];
	v3 =	vadd.f32 v7, v3  }
0x1c1: {  	v2 =	vadd.f32 v9, v2;
	v7 =	vld [tilespmem:s25+$0x7A0]  }
0x1c2: {  	v9 =	vld [tilespmem:s25+$0xA00];
	v1 =	vadd.f32 v6, v1  }
0x1c3: {  	v6 =	vld [tilespmem:s25+$0xA10];
	v3 =	vadd.f32 v4, v3  }
0x1c4: {  	v2 =	vadd.f32 v5, v2;
	v4 =	vld [tilespmem:s25+$0xA20]  }
0x1c5: {  	v5 =	vld [tilespmem:s25+$0xC80];
	v1 =	vadd.f32 v8, v1  }
0x1c6: {  	v8 =	vld [tilespmem:s25+$0xC90];
	v3 =	vadd.f32 v7, v3  }
0x1c7: {  	v2 =	vadd.f32 v9, v2;
	v7 =	vld [tilespmem:s25+$0xCA0]  }
0x1c8: {  	v9 =	vld [tilespmem:s25+$0xF00];
	v6 =	vadd.f32 v6, v1  }
.Ltmp2:
0x1c9: {  	v1 =	vld [tilespmem:s25+$0xF10];
	v10 =	vadd.f32 v4, v3;
	(pc) =	sbr.rel @p0 .LBB2_6-.Ltmp2, $4  }
0x1ca: {  	v5 =	vadd.f32 v5, v2;
	v2 =	vld [tilespmem:s25+$0xF20]  }
0x1cb: {  	v3 =	vld [tilespmem:s25+$0x1180];
	v6 =	vadd.f32 v8, v6  }
0x1cc: {  	v4 =	vld [tilespmem:s25+$0x1190];
	v8 =	vadd.f32 v7, v10  }
0x1cd: {  	v7 =	vadd.f32 v9, v5;
	v5 =	vld [tilespmem:s25+$0x11A0];
	s25 =	sadd.s32 $0x40, s25  }
0x1ce: {  	_ = 	snop  }
0x1cf: {  	v1 =	vadd.f32 v1, v6  }
0x1d0: {  	v2 =	vadd.f32 v2, v8;
	v3 =	vadd.f32 v3, v7  }
0x1d1: {  	v1 =	vadd.f32 v4, v1  }
0x1d2: {  	s31 =	sadd.s32 $0x1, s31;
	[tilespmem:s0+$0xFFFFFFE0] =	vst v3;
	v2 =	vadd.f32 v5, v2  }
0x1d3: {  	p0 =	sne.s32 s31, s24;
	[tilespmem:s0+$0xFFFFFFF0] =	vst v1  }
.Ltmp3:
0x1d4: {  	[tilespmem:s0+$0x0] =	vst v2;
	(pc) =	sbr.rel @p0 .LBB2_1-.Ltmp3, $4  }
0x1d5: {  	[hbm4b:s23+s2] =	stream.linear.scatter [tilespmem:s29], [sflag:$0x2], $0x280, $0x38;
	[tilespmem:$0xED30] =	vst v63  }
0x1d6: {  	_ =	swait.ge [sflag:s30], $0x280  }
0x1d7: {  	[sflag:s30] =	ssyncset.done $0x0  }
0x1d8: {  	[sflag:s30] =	ssyncadd.s32 $0xFFFFFD80  }
0x1d9: {  	_ =	sfence.sel $0x180000  }
0x1da: {  	[bflag:$0x0] =	sbarrier.arrive $0xFFFF  }
0x1db: {  	_ =	strace $0x9000004A  }
0x1dc: {  	s0 =	stileid.u32;
	[bflag:$0x2] =	sbarrier.arrive $0xFFFF  }
0x1dd: {  	p0 =	sne.s32 s0, $0x0;
	s0 =	rddreg [dreg:$0x5]  }
0x1de: {  	s0 =	sadd.s32 @!p0 $0x100000, s0  }
0x1df: {  	[sflag:s0] =	ssyncadd.tile.s32 @!p0 $0x1;
	_ =	shalt  }
.Lfunc_end2:
_tile_overlayer_lowered:
.L_overlay_start_2:
0x1e0: {  	(tag) =	ssettag $0x2  }
0x1e1: {  	s0 =	rddreg [dreg:$0x0];
	s2 =	stileid.u32  }
0x1e2: {  	s1 =	rddreg [dreg:$0x1];
	p0 =	sne.s32 s2, $0x0  }
0x1e3: {  	s3 =	rddreg [dreg:$0x2];
	[bflag:$0x3] =	sbarrier.arrive $0xFFFF;
	s2 =	simm.s32 @!p0 $0x1C02  }
0x1e4: {  	[timem:s3], [sflag:s2] =	dma.local @!p0 [hbm:s0], s1  }
0x1e5: {  	s0 =	simm.s32 @!p0 $0x2  }
0x1e6: {  	_ =	swait.ge @!p0 [sflag:s0], s1  }
0x1e7: {  	s1 =	ssub.s32 @!p0 $0x0, s1;
	[sflag:s0] =	ssyncset.done @!p0 $0x0  }
0x1e8: {  	[sflag:s0] =	ssyncadd.s32 @!p0 s1  }
0x1e9: {  	[bflag:$0x3] =	sbarrier.arrive $0xFFFF  }
0x1ea: {  	_ =	shalt  }

</sc_bundles>
